<compile_context>
chip_gen: v7x
topology: tpu7x:2x2x1
jax: 0.10.2.dev20260603
libtpu: 0.0.44.dev20260713+nightly
codegen_flags: <defaults>
</compile_context>

<pallas_src>
import functools

import jax
import jax.numpy as jnp
from jax import lax
from jax.experimental import pallas as pl
from jax.experimental.pallas import tpu as pltpu
from jax.experimental.pallas import tpu_sc as plsc

_NUM_EXPERTS = 8
_TOP_K = 2
_NC = 2
_NS = 16
_NL = 16



def _matmul_body(h_ref, w_ref, lg_ref):
    lg_ref[...] = lax.dot_general(
        w_ref[...], h_ref[...], (((1,), (1,)), ((), ())),
        preferred_element_type=jnp.float32)


def _router_logits(h, w, blk, off, n_chunk):
    off_blk = off // blk
    return pl.pallas_call(
        _matmul_body,
        grid=(n_chunk // blk,),
        in_specs=[
            pl.BlockSpec((blk, h.shape[1]), lambda i: (i + off_blk, 0)),
            pl.BlockSpec((_NUM_EXPERTS, h.shape[1]), lambda i: (0, 0)),
        ],
        out_specs=pl.BlockSpec((_NUM_EXPERTS, blk), lambda i: (0, i)),
        out_shape=jax.ShapeDtypeStruct((_NUM_EXPERTS, n_chunk), jnp.float32),
    )(h, w)



def _sc_route_body(lg_hbm, w1_hbm, se_hbm, pt_hbm,
                   lv, wv, sv, uv, sem_in, sem_w, sem_s, sem_u,
                   *, tpw, n_tokens):
    w = lax.axis_index("s") * _NC + lax.axis_index("c")
    base = w * tpw
    pltpu.async_copy(lg_hbm.at[:, pl.ds(base, tpw)], lv, sem_in).wait()

    zf = jnp.zeros((_NL,), jnp.float32)
    zi = jnp.zeros((_NL,), jnp.int32)

    def grp(g, accs):
        off = g * _NL
        ls = [lv[e, pl.ds(off, _NL)] for e in range(_NUM_EXPERTS)]

        m1, i1 = ls[0], zi
        m2, i2 = jnp.full((_NL,), -jnp.inf, jnp.float32), zi
        for e in range(1, _NUM_EXPERTS):
            v = ls[e]
            ei = jnp.full((_NL,), e, jnp.int32)
            gt1 = v > m1
            gt2 = v > m2
            m2 = jnp.where(gt1, m1, jnp.where(gt2, v, m2))
            i2 = jnp.where(gt1, i1, jnp.where(gt2, ei, i2))
            m1 = jnp.where(gt1, v, m1)
            i1 = jnp.where(gt1, ei, i1)

        w1 = 1.0 / (1.0 + jnp.exp(m2 - m1))

        exs = [jnp.exp(ls[e] - m1) for e in range(_NUM_EXPERTS)]
        s = exs[0]
        for e in range(1, _NUM_EXPERTS):
            s = s + exs[e]
        rinv = 1.0 / s
        accs = tuple(accs[e] + exs[e] * rinv for e in range(_NUM_EXPERTS))

        pair = i1 | (i2 << 16)

        wv[pl.ds(off, _NL)] = w1
        sv[pl.ds(off, _NL)] = pair
        return accs

    accs = lax.fori_loop(0, tpw // _NL, grp, (zf,) * _NUM_EXPERTS)
    for e in range(_NUM_EXPERTS):
        uv[pl.ds(e * _NL, _NL)] = accs[e]

    cw = pltpu.async_copy(wv, w1_hbm.at[pl.ds(base, tpw)], sem_w)
    cs = pltpu.async_copy(sv, se_hbm.at[pl.ds(base, tpw)], sem_s)
    cu = pltpu.async_copy(uv, pt_hbm.at[pl.ds(w * (_NUM_EXPERTS * _NL),
                                              _NUM_EXPERTS * _NL)], sem_u)
    cw.wait()
    cs.wait()
    cu.wait()


def _sc_route(lg_t, n_tokens):
    nw = _NC * _NS
    tpw = n_tokens // nw
    mesh = plsc.VectorSubcoreMesh(core_axis_name="c", subcore_axis_name="s",
                                  num_cores=_NC, num_subcores=_NS)
    return pl.kernel(
        functools.partial(_sc_route_body, tpw=tpw, n_tokens=n_tokens),
        out_type=(
            jax.ShapeDtypeStruct((n_tokens,), jnp.float32),
            jax.ShapeDtypeStruct((n_tokens,), jnp.int32),
            jax.ShapeDtypeStruct((nw * _NUM_EXPERTS * _NL,), jnp.float32),
        ),
        mesh=mesh,
        scratch_types=[
            pltpu.VMEM((_NUM_EXPERTS, tpw), jnp.float32),
            pltpu.VMEM((tpw,), jnp.float32),
            pltpu.VMEM((tpw,), jnp.int32),
            pltpu.VMEM((_NUM_EXPERTS * _NL,), jnp.float32),
            pltpu.SemaphoreType.DMA,
            pltpu.SemaphoreType.DMA,
            pltpu.SemaphoreType.DMA,
            pltpu.SemaphoreType.DMA,
        ],
    )(lg_t)



def _aux_body(pt0_ref, aux_ref, *, n_tokens):
    x = pt0_ref[...]
    col = jnp.sum(x, axis=0, keepdims=True)
    grp = lax.broadcasted_iota(jnp.int32, col.shape, 1) // _NL
    aux = 0.0
    for e in range(_NUM_EXPERTS):
        u_e = jnp.sum(jnp.where(grp == e, col, 0.0)) / n_tokens
        aux = aux + u_e * u_e
    aux_ref[0, 0] = _NUM_EXPERTS * aux


def _aux_loss(pt0, n_tokens):
    nw = _NC * _NS
    spec = pl.BlockSpec((nw, _NUM_EXPERTS * _NL), lambda: (0, 0))
    return pl.pallas_call(
        functools.partial(_aux_body, n_tokens=n_tokens),
        in_specs=[spec],
        out_specs=pl.BlockSpec(memory_space=pltpu.SMEM),
        out_shape=jax.ShapeDtypeStruct((1, 1), jnp.float32),
    )(pt0.reshape(nw, _NUM_EXPERTS * _NL))


@jax.jit
def kernel(hidden_states, gate_weight):
    b, t, hd = hidden_states.shape
    n_tokens = b * t
    h = hidden_states.reshape(n_tokens, hd)

    lg = _router_logits(h, gate_weight, 4096, 0, n_tokens)
    w1, pairs, pt = _sc_route(lg, n_tokens)
    aux = _aux_loss(pt, n_tokens)

    rw = jnp.abs(w1[:, None] - jnp.array([0.0, 1.0], jnp.float32))
    se = (pairs[:, None] >> jnp.array([0, 16], jnp.int32)) & 0xFFFF

    return rw, se, aux.reshape(())

# --- scband reference (transcript-rebuilt; emitter-appended) ---
"""Pipeline reference for scband-top-krouter-8718783611334 (READ-ONLY COPY).

The authoritative reference and input builder live on the scoring server;
editing this copy changes nothing except your own understanding.
"""

import jax, jax.numpy as jnp
import numpy as np

NUM_EXPERTS = 8
TOP_K = 2
HIDDEN = 768

def setup_inputs(seed: int = 0) -> dict:
    key = jax.random.key(seed)
    k1, k2 = jax.random.split(key)
    hidden_states = jax.random.normal(k1, (4, 8192, HIDDEN), dtype=jnp.float32)
    # nn.Linear(hidden_size, num_experts, bias=False).weight has shape [num_experts, hidden_size]
    gate_weight = jax.random.normal(k2, (NUM_EXPERTS, HIDDEN), dtype=jnp.float32) * (1.0 / np.sqrt(HIDDEN))
    return {"hidden_states": hidden_states, "gate_weight": gate_weight}

def reference(hidden_states, gate_weight):
    batch_size, seq_len, hidden_dim = hidden_states.shape
    h = hidden_states.reshape(-1, hidden_dim)
    router_logits = h @ gate_weight.T
    routing_weights_full = jax.nn.softmax(router_logits, axis=-1)
    routing_weights, selected_experts = jax.lax.top_k(routing_weights_full, TOP_K)
    routing_weights = routing_weights / jnp.sum(routing_weights, axis=-1, keepdims=True)
    router_probs = jax.nn.softmax(router_logits, axis=-1)
    expert_usage = router_probs.mean(axis=0)
    aux_loss = NUM_EXPERTS * jnp.sum(expert_usage * expert_usage)
    return (routing_weights, selected_experts, aux_loss)

if __name__ == "__main__":
    import jax
    _d = setup_inputs()
    print(jax.jit(kernel)(*tuple(_d.values())))

</pallas_src>

<mosaic_0001>
#map = affine_map<(d0, d1) -> (0, 0)>
#map1 = affine_map<(d0, d1) -> (0)>
module attributes {stable_mosaic.version = 14 : i64} {
  func.func @_sc_route_body(%arg0: i32, %arg1: i32, %arg2: memref<8x32768xf32, #tpu.memory_space<hbm>>, %arg3: memref<32768xf32, #tpu.memory_space<hbm>>, %arg4: memref<32768xi32, #tpu.memory_space<hbm>>, %arg5: memref<4096xf32, #tpu.memory_space<hbm>>, %arg6: memref<8x1024xf32, #tpu.memory_space<vmem>>, %arg7: memref<1024xf32, #tpu.memory_space<vmem>>, %arg8: memref<1024xi32, #tpu.memory_space<vmem>>, %arg9: memref<128xf32, #tpu.memory_space<vmem>>, %arg10: memref<!tpu.dma_semaphore, #tpu.memory_space<semaphore_mem>>, %arg11: memref<!tpu.dma_semaphore, #tpu.memory_space<semaphore_mem>>, %arg12: memref<!tpu.dma_semaphore, #tpu.memory_space<semaphore_mem>>, %arg13: memref<!tpu.dma_semaphore, #tpu.memory_space<semaphore_mem>>) attributes {dimension_semantics = [#tpu.dimension_semantics<core_parallel>, #tpu.dimension_semantics<subcore_parallel>], iteration_bounds = array<i64: 2, 16>, scalar_prefetch = 0 : i64, scratch_operands = 8 : i64, tpu.core_type = #tpu.core_type<sc_vector_subcore>, window_params = [{transform_indices = #map}, {transform_indices = #map1}, {transform_indices = #map1}, {transform_indices = #map1}]} {
    %mul3A = arith.constant 2 : i32
    %mul3A_0 = arith.muli %arg1, %mul3A : i32
    %add3A = arith.addi %mul3A_0, %arg0 : i32
    %mul3A_1 = arith.constant 1024 : i32
    %mul3A_2 = arith.muli %add3A, %mul3A_1 : i32
    %dma_start3A = arith.constant 0 : i32
    %dma_start3A_3 = tpu.memref_slice %arg2[%dma_start3A, %mul3A_2] : memref<8x32768xf32, #tpu.memory_space<hbm>> -> memref<8x1024xf32, #tpu.memory_space<hbm>>
    %dma_start3A_4 = arith.constant 0 : i32
    %dma_start3A_5 = tpu.memref_slice %arg2[%dma_start3A_4, %mul3A_2] : memref<8x32768xf32, #tpu.memory_space<hbm>> -> memref<8x1024xf32, #tpu.memory_space<hbm>>
    tpu.enqueue_dma source(%dma_start3A_5 : memref<8x1024xf32, #tpu.memory_space<hbm>>) target(%arg6 : memref<8x1024xf32, #tpu.memory_space<vmem>>) target_semaphore(%arg10 : memref<!tpu.dma_semaphore, #tpu.memory_space<semaphore_mem>>)
    %dma_wait3A = arith.constant 0 : i32
    %dma_wait3A_6 = tpu.memref_slice %arg2[%dma_wait3A, %mul3A_2] : memref<8x32768xf32, #tpu.memory_space<hbm>> -> memref<8x1024xf32, #tpu.memory_space<hbm>>
    %dma_wait3A_7 = arith.constant 0 : i32
    %dma_wait3A_8 = tpu.memref_slice %arg2[%dma_wait3A_7, %mul3A_2] : memref<8x32768xf32, #tpu.memory_space<hbm>> -> memref<8x1024xf32, #tpu.memory_space<hbm>>
    tpu.wait_dma2 semaphore(%arg10 : memref<!tpu.dma_semaphore, #tpu.memory_space<semaphore_mem>>) src(%dma_wait3A_8 : memref<8x1024xf32, #tpu.memory_space<hbm>>) dst(%arg6 : memref<8x1024xf32, #tpu.memory_space<vmem>>)
    %broadcast_in_dim3A = arith.constant 0.000000e+00 : f32
    %broadcast_in_dim3A_9 = vector.broadcast %broadcast_in_dim3A : f32 to vector<16xf32>
    %broadcast_in_dim3A_10 = arith.constant 0 : i32
    %broadcast_in_dim3A_11 = vector.broadcast %broadcast_in_dim3A_10 : i32 to vector<16xi32>
    %scan3A = arith.constant 0 : i32
    %scan3A_12 = arith.constant 64 : i32
    %scan3A_13 = arith.addi %scan3A, %scan3A_12 : i32
    %scan3A_14 = arith.constant 1 : i32
    %scan3A_15:8 = scf.for %scan3A_62 = %scan3A to %scan3A_13 step %scan3A_14 iter_args(%scan3A_63 = %broadcast_in_dim3A_9, %scan3A_64 = %broadcast_in_dim3A_9, %scan3A_65 = %broadcast_in_dim3A_9, %scan3A_66 = %broadcast_in_dim3A_9, %scan3A_67 = %broadcast_in_dim3A_9, %scan3A_68 = %broadcast_in_dim3A_9, %scan3A_69 = %broadcast_in_dim3A_9, %scan3A_70 = %broadcast_in_dim3A_9) -> (vector<16xf32>, vector<16xf32>, vector<16xf32>, vector<16xf32>, vector<16xf32>, vector<16xf32>, vector<16xf32>, vector<16xf32>)  : i32 {
      %mul3A_71 = arith.constant 16 : i32
      %mul3A_72 = arith.muli %scan3A_62, %mul3A_71 : i32
      %get3A = arith.constant 0 : i32
      %get3A_73 = arith.index_cast %get3A : i32 to index
      %get3A_74 = arith.index_cast %mul3A_72 : i32 to index
      %get3A_75 = tpu.vector_load %arg6[%get3A_73, %get3A_74] {strides = array<i32>} : memref<8x1024xf32, #tpu.memory_space<vmem>>, vector<1x16xf32>,
      %get3A_76 = vector.shape_cast %get3A_75 : vector<1x16xf32> to vector<16xf32>
      %get3A_77 = arith.constant 1 : i32
      %get3A_78 = arith.index_cast %get3A_77 : i32 to index
      %get3A_79 = arith.index_cast %mul3A_72 : i32 to index
      %get3A_80 = tpu.vector_load %arg6[%get3A_78, %get3A_79] {strides = array<i32>} : memref<8x1024xf32, #tpu.memory_space<vmem>>, vector<1x16xf32>,
      %get3A_81 = vector.shape_cast %get3A_80 : vector<1x16xf32> to vector<16xf32>
      %get3A_82 = arith.constant 2 : i32
      %get3A_83 = arith.index_cast %get3A_82 : i32 to index
      %get3A_84 = arith.index_cast %mul3A_72 : i32 to index
      %get3A_85 = tpu.vector_load %arg6[%get3A_83, %get3A_84] {strides = array<i32>} : memref<8x1024xf32, #tpu.memory_space<vmem>>, vector<1x16xf32>,
      %get3A_86 = vector.shape_cast %get3A_85 : vector<1x16xf32> to vector<16xf32>
      %get3A_87 = arith.constant 3 : i32
      %get3A_88 = arith.index_cast %get3A_87 : i32 to index
      %get3A_89 = arith.index_cast %mul3A_72 : i32 to index
      %get3A_90 = tpu.vector_load %arg6[%get3A_88, %get3A_89] {strides = array<i32>} : memref<8x1024xf32, #tpu.memory_space<vmem>>, vector<1x16xf32>,
      %get3A_91 = vector.shape_cast %get3A_90 : vector<1x16xf32> to vector<16xf32>
      %get3A_92 = arith.constant 4 : i32
      %get3A_93 = arith.index_cast %get3A_92 : i32 to index
      %get3A_94 = arith.index_cast %mul3A_72 : i32 to index
      %get3A_95 = tpu.vector_load %arg6[%get3A_93, %get3A_94] {strides = array<i32>} : memref<8x1024xf32, #tpu.memory_space<vmem>>, vector<1x16xf32>,
      %get3A_96 = vector.shape_cast %get3A_95 : vector<1x16xf32> to vector<16xf32>
      %get3A_97 = arith.constant 5 : i32
      %get3A_98 = arith.index_cast %get3A_97 : i32 to index
      %get3A_99 = arith.index_cast %mul3A_72 : i32 to index
      %get3A_100 = tpu.vector_load %arg6[%get3A_98, %get3A_99] {strides = array<i32>} : memref<8x1024xf32, #tpu.memory_space<vmem>>, vector<1x16xf32>,
      %get3A_101 = vector.shape_cast %get3A_100 : vector<1x16xf32> to vector<16xf32>
      %get3A_102 = arith.constant 6 : i32
      %get3A_103 = arith.index_cast %get3A_102 : i32 to index
      %get3A_104 = arith.index_cast %mul3A_72 : i32 to index
      %get3A_105 = tpu.vector_load %arg6[%get3A_103, %get3A_104] {strides = array<i32>} : memref<8x1024xf32, #tpu.memory_space<vmem>>, vector<1x16xf32>,
      %get3A_106 = vector.shape_cast %get3A_105 : vector<1x16xf32> to vector<16xf32>
      %get3A_107 = arith.constant 7 : i32
      %get3A_108 = arith.index_cast %get3A_107 : i32 to index
      %get3A_109 = arith.index_cast %mul3A_72 : i32 to index
      %get3A_110 = tpu.vector_load %arg6[%get3A_108, %get3A_109] {strides = array<i32>} : memref<8x1024xf32, #tpu.memory_space<vmem>>, vector<1x16xf32>,
      %get3A_111 = vector.shape_cast %get3A_110 : vector<1x16xf32> to vector<16xf32>
      %broadcast_in_dim3A_112 = arith.constant 0xFF800000 : f32
      %broadcast_in_dim3A_113 = vector.broadcast %broadcast_in_dim3A_112 : f32 to vector<16xf32>
      %broadcast_in_dim3A_114 = arith.constant 1 : i32
      %broadcast_in_dim3A_115 = vector.broadcast %broadcast_in_dim3A_114 : i32 to vector<16xi32>
      %gt3A = arith.cmpf ogt, %get3A_81, %get3A_76 : vector<16xf32>
      %gt3A_116 = arith.cmpf ogt, %get3A_81, %broadcast_in_dim3A_113 : vector<16xf32>
      %select_n3A = arith.select %gt3A_116, %get3A_81, %broadcast_in_dim3A_113 : vector<16xi1>, vector<16xf32>
      %select_n3A_117 = arith.select %gt3A, %get3A_76, %select_n3A : vector<16xi1>, vector<16xf32>
      %select_n3A_118 = arith.select %gt3A_116, %broadcast_in_dim3A_115, %broadcast_in_dim3A_11 : vector<16xi1>, vector<16xi32>
      %select_n3A_119 = arith.select %gt3A, %broadcast_in_dim3A_11, %select_n3A_118 : vector<16xi1>, vector<16xi32>
      %select_n3A_120 = arith.select %gt3A, %get3A_81, %get3A_76 : vector<16xi1>, vector<16xf32>
      %select_n3A_121 = arith.select %gt3A, %broadcast_in_dim3A_115, %broadcast_in_dim3A_11 : vector<16xi1>, vector<16xi32>
      %broadcast_in_dim3A_122 = arith.constant 2 : i32
      %broadcast_in_dim3A_123 = vector.broadcast %broadcast_in_dim3A_122 : i32 to vector<16xi32>
      %gt3A_124 = arith.cmpf ogt, %get3A_86, %select_n3A_120 : vector<16xf32>
      %gt3A_125 = arith.cmpf ogt, %get3A_86, %select_n3A_117 : vector<16xf32>
      %select_n3A_126 = arith.select %gt3A_125, %get3A_86, %select_n3A_117 : vector<16xi1>, vector<16xf32>
      %select_n3A_127 = arith.select %gt3A_124, %select_n3A_120, %select_n3A_126 : vector<16xi1>, vector<16xf32>
      %select_n3A_128 = arith.select %gt3A_125, %broadcast_in_dim3A_123, %select_n3A_119 : vector<16xi1>, vector<16xi32>
      %select_n3A_129 = arith.select %gt3A_124, %select_n3A_121, %select_n3A_128 : vector<16xi1>, vector<16xi32>
      %select_n3A_130 = arith.select %gt3A_124, %get3A_86, %select_n3A_120 : vector<16xi1>, vector<16xf32>
      %select_n3A_131 = arith.select %gt3A_124, %broadcast_in_dim3A_123, %select_n3A_121 : vector<16xi1>, vector<16xi32>
      %broadcast_in_dim3A_132 = arith.constant 3 : i32
      %broadcast_in_dim3A_133 = vector.broadcast %broadcast_in_dim3A_132 : i32 to vector<16xi32>
      %gt3A_134 = arith.cmpf ogt, %get3A_91, %select_n3A_130 : vector<16xf32>
      %gt3A_135 = arith.cmpf ogt, %get3A_91, %select_n3A_127 : vector<16xf32>
      %select_n3A_136 = arith.select %gt3A_135, %get3A_91, %select_n3A_127 : vector<16xi1>, vector<16xf32>
      %select_n3A_137 = arith.select %gt3A_134, %select_n3A_130, %select_n3A_136 : vector<16xi1>, vector<16xf32>
      %select_n3A_138 = arith.select %gt3A_135, %broadcast_in_dim3A_133, %select_n3A_129 : vector<16xi1>, vector<16xi32>
      %select_n3A_139 = arith.select %gt3A_134, %select_n3A_131, %select_n3A_138 : vector<16xi1>, vector<16xi32>
      %select_n3A_140 = arith.select %gt3A_134, %get3A_91, %select_n3A_130 : vector<16xi1>, vector<16xf32>
      %select_n3A_141 = arith.select %gt3A_134, %broadcast_in_dim3A_133, %select_n3A_131 : vector<16xi1>, vector<16xi32>
      %broadcast_in_dim3A_142 = arith.constant 4 : i32
      %broadcast_in_dim3A_143 = vector.broadcast %broadcast_in_dim3A_142 : i32 to vector<16xi32>
      %gt3A_144 = arith.cmpf ogt, %get3A_96, %select_n3A_140 : vector<16xf32>
      %gt3A_145 = arith.cmpf ogt, %get3A_96, %select_n3A_137 : vector<16xf32>
      %select_n3A_146 = arith.select %gt3A_145, %get3A_96, %select_n3A_137 : vector<16xi1>, vector<16xf32>
      %select_n3A_147 = arith.select %gt3A_144, %select_n3A_140, %select_n3A_146 : vector<16xi1>, vector<16xf32>
      %select_n3A_148 = arith.select %gt3A_145, %broadcast_in_dim3A_143, %select_n3A_139 : vector<16xi1>, vector<16xi32>
      %select_n3A_149 = arith.select %gt3A_144, %select_n3A_141, %select_n3A_148 : vector<16xi1>, vector<16xi32>
      %select_n3A_150 = arith.select %gt3A_144, %get3A_96, %select_n3A_140 : vector<16xi1>, vector<16xf32>
      %select_n3A_151 = arith.select %gt3A_144, %broadcast_in_dim3A_143, %select_n3A_141 : vector<16xi1>, vector<16xi32>
      %broadcast_in_dim3A_152 = arith.constant 5 : i32
      %broadcast_in_dim3A_153 = vector.broadcast %broadcast_in_dim3A_152 : i32 to vector<16xi32>
      %gt3A_154 = arith.cmpf ogt, %get3A_101, %select_n3A_150 : vector<16xf32>
      %gt3A_155 = arith.cmpf ogt, %get3A_101, %select_n3A_147 : vector<16xf32>
      %select_n3A_156 = arith.select %gt3A_155, %get3A_101, %select_n3A_147 : vector<16xi1>, vector<16xf32>
      %select_n3A_157 = arith.select %gt3A_154, %select_n3A_150, %select_n3A_156 : vector<16xi1>, vector<16xf32>
      %select_n3A_158 = arith.select %gt3A_155, %broadcast_in_dim3A_153, %select_n3A_149 : vector<16xi1>, vector<16xi32>
      %select_n3A_159 = arith.select %gt3A_154, %select_n3A_151, %select_n3A_158 : vector<16xi1>, vector<16xi32>
      %select_n3A_160 = arith.select %gt3A_154, %get3A_101, %select_n3A_150 : vector<16xi1>, vector<16xf32>
      %select_n3A_161 = arith.select %gt3A_154, %broadcast_in_dim3A_153, %select_n3A_151 : vector<16xi1>, vector<16xi32>
      %broadcast_in_dim3A_162 = arith.constant 6 : i32
      %broadcast_in_dim3A_163 = vector.broadcast %broadcast_in_dim3A_162 : i32 to vector<16xi32>
      %gt3A_164 = arith.cmpf ogt, %get3A_106, %select_n3A_160 : vector<16xf32>
      %gt3A_165 = arith.cmpf ogt, %get3A_106, %select_n3A_157 : vector<16xf32>
      %select_n3A_166 = arith.select %gt3A_165, %get3A_106, %select_n3A_157 : vector<16xi1>, vector<16xf32>
      %select_n3A_167 = arith.select %gt3A_164, %select_n3A_160, %select_n3A_166 : vector<16xi1>, vector<16xf32>
      %select_n3A_168 = arith.select %gt3A_165, %broadcast_in_dim3A_163, %select_n3A_159 : vector<16xi1>, vector<16xi32>
      %select_n3A_169 = arith.select %gt3A_164, %select_n3A_161, %select_n3A_168 : vector<16xi1>, vector<16xi32>
      %select_n3A_170 = arith.select %gt3A_164, %get3A_106, %select_n3A_160 : vector<16xi1>, vector<16xf32>
      %select_n3A_171 = arith.select %gt3A_164, %broadcast_in_dim3A_163, %select_n3A_161 : vector<16xi1>, vector<16xi32>
      %broadcast_in_dim3A_172 = arith.constant 7 : i32
      %broadcast_in_dim3A_173 = vector.broadcast %broadcast_in_dim3A_172 : i32 to vector<16xi32>
      %gt3A_174 = arith.cmpf ogt, %get3A_111, %select_n3A_170 : vector<16xf32>
      %gt3A_175 = arith.cmpf ogt, %get3A_111, %select_n3A_167 : vector<16xf32>
      %select_n3A_176 = arith.select %gt3A_175, %get3A_111, %select_n3A_167 : vector<16xi1>, vector<16xf32>
      %select_n3A_177 = arith.select %gt3A_174, %select_n3A_170, %select_n3A_176 : vector<16xi1>, vector<16xf32>
      %select_n3A_178 = arith.select %gt3A_175, %broadcast_in_dim3A_173, %select_n3A_169 : vector<16xi1>, vector<16xi32>
      %select_n3A_179 = arith.select %gt3A_174, %select_n3A_171, %select_n3A_178 : vector<16xi1>, vector<16xi32>
      %select_n3A_180 = arith.select %gt3A_174, %get3A_111, %select_n3A_170 : vector<16xi1>, vector<16xf32>
      %select_n3A_181 = arith.select %gt3A_174, %broadcast_in_dim3A_173, %select_n3A_171 : vector<16xi1>, vector<16xi32>
      %sub3A = arith.subf %select_n3A_177, %select_n3A_180 : vector<16xf32>
      %exp3A = math.exp %sub3A : vector<16xf32>
      %add3A_182 = arith.constant 1.000000e+00 : f32
      %add3A_183 = vector.broadcast %add3A_182 : f32 to vector<16xf32>
      %add3A_184 = arith.addf %add3A_183, %exp3A : vector<16xf32>
      %div3A = arith.constant 1.000000e+00 : f32
      %div3A_185 = vector.broadcast %div3A : f32 to vector<16xf32>
      %div3A_186 = arith.divf %div3A_185, %add3A_184 : vector<16xf32>
      %sub3A_187 = arith.subf %get3A_76, %select_n3A_180 : vector<16xf32>
      %exp3A_188 = math.exp %sub3A_187 : vector<16xf32>
      %sub3A_189 = arith.subf %get3A_81, %select_n3A_180 : vector<16xf32>
      %exp3A_190 = math.exp %sub3A_189 : vector<16xf32>
      %sub3A_191 = arith.subf %get3A_86, %select_n3A_180 : vector<16xf32>
      %exp3A_192 = math.exp %sub3A_191 : vector<16xf32>
      %sub3A_193 = arith.subf %get3A_91, %select_n3A_180 : vector<16xf32>
      %exp3A_194 = math.exp %sub3A_193 : vector<16xf32>
      %sub3A_195 = arith.subf %get3A_96, %select_n3A_180 : vector<16xf32>
      %exp3A_196 = math.exp %sub3A_195 : vector<16xf32>
      %sub3A_197 = arith.subf %get3A_101, %select_n3A_180 : vector<16xf32>
      %exp3A_198 = math.exp %sub3A_197 : vector<16xf32>
      %sub3A_199 = arith.subf %get3A_106, %select_n3A_180 : vector<16xf32>
      %exp3A_200 = math.exp %sub3A_199 : vector<16xf32>
      %sub3A_201 = arith.subf %get3A_111, %select_n3A_180 : vector<16xf32>
      %exp3A_202 = math.exp %sub3A_201 : vector<16xf32>
      %add3A_203 = arith.addf %exp3A_188, %exp3A_190 : vector<16xf32>
      %add3A_204 = arith.addf %add3A_203, %exp3A_192 : vector<16xf32>
      %add3A_205 = arith.addf %add3A_204, %exp3A_194 : vector<16xf32>
      %add3A_206 = arith.addf %add3A_205, %exp3A_196 : vector<16xf32>
      %add3A_207 = arith.addf %add3A_206, %exp3A_198 : vector<16xf32>
      %add3A_208 = arith.addf %add3A_207, %exp3A_200 : vector<16xf32>
      %add3A_209 = arith.addf %add3A_208, %exp3A_202 : vector<16xf32>
      %div3A_210 = arith.constant 1.000000e+00 : f32
      %div3A_211 = vector.broadcast %div3A_210 : f32 to vector<16xf32>
      %div3A_212 = arith.divf %div3A_211, %add3A_209 : vector<16xf32>
      %mul3A_213 = arith.mulf %exp3A_188, %div3A_212 : vector<16xf32>
      %add3A_214 = arith.addf %scan3A_63, %mul3A_213 : vector<16xf32>
      %mul3A_215 = arith.mulf %exp3A_190, %div3A_212 : vector<16xf32>
      %add3A_216 = arith.addf %scan3A_64, %mul3A_215 : vector<16xf32>
      %mul3A_217 = arith.mulf %exp3A_192, %div3A_212 : vector<16xf32>
      %add3A_218 = arith.addf %scan3A_65, %mul3A_217 : vector<16xf32>
      %mul3A_219 = arith.mulf %exp3A_194, %div3A_212 : vector<16xf32>
      %add3A_220 = arith.addf %scan3A_66, %mul3A_219 : vector<16xf32>
      %mul3A_221 = arith.mulf %exp3A_196, %div3A_212 : vector<16xf32>
      %add3A_222 = arith.addf %scan3A_67, %mul3A_221 : vector<16xf32>
      %mul3A_223 = arith.mulf %exp3A_198, %div3A_212 : vector<16xf32>
      %add3A_224 = arith.addf %scan3A_68, %mul3A_223 : vector<16xf32>
      %mul3A_225 = arith.mulf %exp3A_200, %div3A_212 : vector<16xf32>
      %add3A_226 = arith.addf %scan3A_69, %mul3A_225 : vector<16xf32>
      %mul3A_227 = arith.mulf %exp3A_202, %div3A_212 : vector<16xf32>
      %add3A_228 = arith.addf %scan3A_70, %mul3A_227 : vector<16xf32>
      %shift_left3A = arith.constant 16 : i32
      %shift_left3A_229 = vector.broadcast %shift_left3A : i32 to vector<16xi32>
      %shift_left3A_230 = arith.shli %select_n3A_179, %shift_left3A_229 : vector<16xi32>
      %or3A = arith.ori %select_n3A_181, %shift_left3A_230 : vector<16xi32>
      %swap3A_231 = arith.index_cast %mul3A_72 : i32 to index
      %swap3A_232 = tpu.vector_load %arg7[%swap3A_231] {strides = array<i32>} : memref<1024xf32, #tpu.memory_space<vmem>>, vector<16xf32>,
      %swap3A_233 = vector.shape_cast %swap3A_232 : vector<16xf32> to vector<16xf32>
      %swap3A_234 = vector.shape_cast %div3A_186 : vector<16xf32> to vector<16xf32>
      tpu.vector_store %arg7[%swap3A_231], %swap3A_234 {strides = array<i32>} : memref<1024xf32, #tpu.memory_space<vmem>>, vector<16xf32>,
      %swap3A_235 = arith.index_cast %mul3A_72 : i32 to index
      %swap3A_236 = tpu.vector_load %arg8[%swap3A_235] {strides = array<i32>} : memref<1024xi32, #tpu.memory_space<vmem>>, vector<16xi32>,
      %swap3A_237 = vector.shape_cast %swap3A_236 : vector<16xi32> to vector<16xi32>
      %swap3A_238 = vector.shape_cast %or3A : vector<16xi32> to vector<16xi32>
      tpu.vector_store %arg8[%swap3A_235], %swap3A_238 {strides = array<i32>} : memref<1024xi32, #tpu.memory_space<vmem>>, vector<16xi32>,
      scf.yield %add3A_214, %add3A_216, %add3A_218, %add3A_220, %add3A_222, %add3A_224, %add3A_226, %add3A_228 : vector<16xf32>, vector<16xf32>, vector<16xf32>, vector<16xf32>, vector<16xf32>, vector<16xf32>, vector<16xf32>, vector<16xf32>
    }
    %scan3A_16 = arith.constant 64 : i32
    %swap3A = arith.constant 0 : index
    %swap3A_17 = tpu.vector_load %arg9[%swap3A] {strides = array<i32>} : memref<128xf32, #tpu.memory_space<vmem>>, vector<16xf32>,
    %swap3A_18 = vector.shape_cast %swap3A_17 : vector<16xf32> to vector<16xf32>
    %swap3A_19 = vector.shape_cast %scan3A_15#0 : vector<16xf32> to vector<16xf32>
    tpu.vector_store %arg9[%swap3A], %swap3A_19 {strides = array<i32>} : memref<128xf32, #tpu.memory_space<vmem>>, vector<16xf32>,
    %swap3A_20 = arith.constant 16 : index
    %swap3A_21 = tpu.vector_load %arg9[%swap3A_20] {strides = array<i32>} : memref<128xf32, #tpu.memory_space<vmem>>, vector<16xf32>,
    %swap3A_22 = vector.shape_cast %swap3A_21 : vector<16xf32> to vector<16xf32>
    %swap3A_23 = vector.shape_cast %scan3A_15#1 : vector<16xf32> to vector<16xf32>
    tpu.vector_store %arg9[%swap3A_20], %swap3A_23 {strides = array<i32>} : memref<128xf32, #tpu.memory_space<vmem>>, vector<16xf32>,
    %swap3A_24 = arith.constant 32 : index
    %swap3A_25 = tpu.vector_load %arg9[%swap3A_24] {strides = array<i32>} : memref<128xf32, #tpu.memory_space<vmem>>, vector<16xf32>,
    %swap3A_26 = vector.shape_cast %swap3A_25 : vector<16xf32> to vector<16xf32>
    %swap3A_27 = vector.shape_cast %scan3A_15#2 : vector<16xf32> to vector<16xf32>
    tpu.vector_store %arg9[%swap3A_24], %swap3A_27 {strides = array<i32>} : memref<128xf32, #tpu.memory_space<vmem>>, vector<16xf32>,
    %swap3A_28 = arith.constant 48 : index
    %swap3A_29 = tpu.vector_load %arg9[%swap3A_28] {strides = array<i32>} : memref<128xf32, #tpu.memory_space<vmem>>, vector<16xf32>,
    %swap3A_30 = vector.shape_cast %swap3A_29 : vector<16xf32> to vector<16xf32>
    %swap3A_31 = vector.shape_cast %scan3A_15#3 : vector<16xf32> to vector<16xf32>
    tpu.vector_store %arg9[%swap3A_28], %swap3A_31 {strides = array<i32>} : memref<128xf32, #tpu.memory_space<vmem>>, vector<16xf32>,
    %swap3A_32 = arith.constant 64 : index
    %swap3A_33 = tpu.vector_load %arg9[%swap3A_32] {strides = array<i32>} : memref<128xf32, #tpu.memory_space<vmem>>, vector<16xf32>,
    %swap3A_34 = vector.shape_cast %swap3A_33 : vector<16xf32> to vector<16xf32>
    %swap3A_35 = vector.shape_cast %scan3A_15#4 : vector<16xf32> to vector<16xf32>
    tpu.vector_store %arg9[%swap3A_32], %swap3A_35 {strides = array<i32>} : memref<128xf32, #tpu.memory_space<vmem>>, vector<16xf32>,
    %swap3A_36 = arith.constant 80 : index
    %swap3A_37 = tpu.vector_load %arg9[%swap3A_36] {strides = array<i32>} : memref<128xf32, #tpu.memory_space<vmem>>, vector<16xf32>,
    %swap3A_38 = vector.shape_cast %swap3A_37 : vector<16xf32> to vector<16xf32>
    %swap3A_39 = vector.shape_cast %scan3A_15#5 : vector<16xf32> to vector<16xf32>
    tpu.vector_store %arg9[%swap3A_36], %swap3A_39 {strides = array<i32>} : memref<128xf32, #tpu.memory_space<vmem>>, vector<16xf32>,
    %swap3A_40 = arith.constant 96 : index
    %swap3A_41 = tpu.vector_load %arg9[%swap3A_40] {strides = array<i32>} : memref<128xf32, #tpu.memory_space<vmem>>, vector<16xf32>,
    %swap3A_42 = vector.shape_cast %swap3A_41 : vector<16xf32> to vector<16xf32>
    %swap3A_43 = vector.shape_cast %scan3A_15#6 : vector<16xf32> to vector<16xf32>
    tpu.vector_store %arg9[%swap3A_40], %swap3A_43 {strides = array<i32>} : memref<128xf32, #tpu.memory_space<vmem>>, vector<16xf32>,
    %swap3A_44 = arith.constant 112 : index
    %swap3A_45 = tpu.vector_load %arg9[%swap3A_44] {strides = array<i32>} : memref<128xf32, #tpu.memory_space<vmem>>, vector<16xf32>,
    %swap3A_46 = vector.shape_cast %swap3A_45 : vector<16xf32> to vector<16xf32>
    %swap3A_47 = vector.shape_cast %scan3A_15#7 : vector<16xf32> to vector<16xf32>
    tpu.vector_store %arg9[%swap3A_44], %swap3A_47 {strides = array<i32>} : memref<128xf32, #tpu.memory_space<vmem>>, vector<16xf32>,
    %dma_start3A_48 = tpu.memref_slice %arg3[%mul3A_2] : memref<32768xf32, #tpu.memory_space<hbm>> -> memref<1024xf32, #tpu.memory_space<hbm>>
    %dma_start3A_49 = tpu.memref_slice %arg3[%mul3A_2] : memref<32768xf32, #tpu.memory_space<hbm>> -> memref<1024xf32, #tpu.memory_space<hbm>>
    tpu.enqueue_dma source(%arg7 : memref<1024xf32, #tpu.memory_space<vmem>>) target(%dma_start3A_49 : memref<1024xf32, #tpu.memory_space<hbm>>) target_semaphore(%arg11 : memref<!tpu.dma_semaphore, #tpu.memory_space<semaphore_mem>>)
    %dma_start3A_50 = tpu.memref_slice %arg4[%mul3A_2] : memref<32768xi32, #tpu.memory_space<hbm>> -> memref<1024xi32, #tpu.memory_space<hbm>>
    %dma_start3A_51 = tpu.memref_slice %arg4[%mul3A_2] : memref<32768xi32, #tpu.memory_space<hbm>> -> memref<1024xi32, #tpu.memory_space<hbm>>
    tpu.enqueue_dma source(%arg8 : memref<1024xi32, #tpu.memory_space<vmem>>) target(%dma_start3A_51 : memref<1024xi32, #tpu.memory_space<hbm>>) target_semaphore(%arg12 : memref<!tpu.dma_semaphore, #tpu.memory_space<semaphore_mem>>)
    %mul3A_52 = arith.constant 128 : i32
    %mul3A_53 = arith.muli %add3A, %mul3A_52 : i32
    %dma_start3A_54 = tpu.memref_slice %arg5[%mul3A_53] : memref<4096xf32, #tpu.memory_space<hbm>> -> memref<128xf32, #tpu.memory_space<hbm>>
    %dma_start3A_55 = tpu.memref_slice %arg5[%mul3A_53] : memref<4096xf32, #tpu.memory_space<hbm>> -> memref<128xf32, #tpu.memory_space<hbm>>
    tpu.enqueue_dma source(%arg9 : memref<128xf32, #tpu.memory_space<vmem>>) target(%dma_start3A_55 : memref<128xf32, #tpu.memory_space<hbm>>) target_semaphore(%arg13 : memref<!tpu.dma_semaphore, #tpu.memory_space<semaphore_mem>>)
    %dma_wait3A_56 = tpu.memref_slice %arg3[%mul3A_2] : memref<32768xf32, #tpu.memory_space<hbm>> -> memref<1024xf32, #tpu.memory_space<hbm>>
    %dma_wait3A_57 = tpu.memref_slice %arg3[%mul3A_2] : memref<32768xf32, #tpu.memory_space<hbm>> -> memref<1024xf32, #tpu.memory_space<hbm>>
    tpu.wait_dma2 semaphore(%arg11 : memref<!tpu.dma_semaphore, #tpu.memory_space<semaphore_mem>>) src(%arg7 : memref<1024xf32, #tpu.memory_space<vmem>>) dst(%dma_wait3A_57 : memref<1024xf32, #tpu.memory_space<hbm>>)
    %dma_wait3A_58 = tpu.memref_slice %arg4[%mul3A_2] : memref<32768xi32, #tpu.memory_space<hbm>> -> memref<1024xi32, #tpu.memory_space<hbm>>
    %dma_wait3A_59 = tpu.memref_slice %arg4[%mul3A_2] : memref<32768xi32, #tpu.memory_space<hbm>> -> memref<1024xi32, #tpu.memory_space<hbm>>
    tpu.wait_dma2 semaphore(%arg12 : memref<!tpu.dma_semaphore, #tpu.memory_space<semaphore_mem>>) src(%arg8 : memref<1024xi32, #tpu.memory_space<vmem>>) dst(%dma_wait3A_59 : memref<1024xi32, #tpu.memory_space<hbm>>)
    %dma_wait3A_60 = tpu.memref_slice %arg5[%mul3A_53] : memref<4096xf32, #tpu.memory_space<hbm>> -> memref<128xf32, #tpu.memory_space<hbm>>
    %dma_wait3A_61 = tpu.memref_slice %arg5[%mul3A_53] : memref<4096xf32, #tpu.memory_space<hbm>> -> memref<128xf32, #tpu.memory_space<hbm>>
    tpu.wait_dma2 semaphore(%arg13 : memref<!tpu.dma_semaphore, #tpu.memory_space<semaphore_mem>>) src(%arg9 : memref<128xf32, #tpu.memory_space<vmem>>) dst(%dma_wait3A_61 : memref<128xf32, #tpu.memory_space<hbm>>)
    return
  }
}

module attributes {stable_mosaic.version = 14 : i64} {
  func.func @_matmul_body(%arg0: i32, %arg1: memref<4096x768xf32, #tpu.memory_space<vmem>>, %arg2: memref<8x768xf32, #tpu.memory_space<vmem>>, %arg3: memref<8x4096xf32, #tpu.memory_space<vmem>>) attributes {dimension_semantics = [#tpu.dimension_semantics<arbitrary>], iteration_bounds = array<i64: 8>, scalar_prefetch = 0 : i64, scratch_operands = 0 : i64, tpu.core_type = #tpu.core_type<tc>, window_params = [{transform_indices = @transform_0, window_bounds = array<i64: 4096, 768>}, {pipeline_mode = #tpu.pipeline_mode<synchronous>, transform_indices = @transform_1, window_bounds = array<i64: 8, 768>}, {transform_indices = @transform_2, window_bounds = array<i64: 8, 4096>}]} {
    %get3A = arith.constant 0 : index
    %get3A_0 = arith.constant 0 : index
    %get3A_1 = vector.load %arg2[%get3A, %get3A_0] : memref<8x768xf32, #tpu.memory_space<vmem>>, vector<8x768xf32>
    %get3A_2 = arith.constant 0 : index
    %get3A_3 = arith.constant 0 : index
    %get3A_4 = vector.load %arg1[%get3A_2, %get3A_3] : memref<4096x768xf32, #tpu.memory_space<vmem>>, vector<4096x768xf32>
    %dot_general3A = arith.constant dense<0.000000e+00> : vector<8x4096xf32>
    %dot_general3A_5 = tpu.matmul %get3A_1, %get3A_4, %dot_general3A {dimension_numbers = #tpu.dot_dimension_numbers<[1], [1], [0], [0], [0, 0, 1, 0], [], []>, transpose_lhs_hint = false} : vector<8x768xf32>, vector<4096x768xf32>, vector<8x4096xf32> -> vector<8x4096xf32>
    %swap3A = arith.constant 0 : index
    %swap3A_6 = arith.constant 0 : index
    %swap3A_7 = vector.load %arg3[%swap3A, %swap3A_6] : memref<8x4096xf32, #tpu.memory_space<vmem>>, vector<8x4096xf32>
    tpu.vector_store %arg3[%swap3A, %swap3A_6], %dot_general3A_5 {strides = array<i32>} : memref<8x4096xf32, #tpu.memory_space<vmem>>, vector<8x4096xf32>,
    return
  }
  func.func @transform_0(%arg0: i32) -> (i32, i32) {
    %add3A = arith.constant 0 : i32
    %add3A_0 = arith.addi %arg0, %add3A : i32
    %c0_i32 = arith.constant 0 : i32
    %c0_i32_1 = arith.constant 0 : i32
    return %add3A_0, %c0_i32 : i32, i32
  }
  func.func @transform_1(%arg0: i32) -> (i32, i32) {
    %c0_i32 = arith.constant 0 : i32
    %c0_i32_0 = arith.constant 0 : i32
    %c0_i32_1 = arith.constant 0 : i32
    return %c0_i32, %c0_i32_0 : i32, i32
  }
  func.func @transform_2(%arg0: i32) -> (i32, i32) {
    %c0_i32 = arith.constant 0 : i32
    %c0_i32_0 = arith.constant 0 : i32
    return %c0_i32, %arg0 : i32, i32
  }
}

module attributes {stable_mosaic.version = 14 : i64} {
  func.func @_aux_body(%arg0: memref<32x128xf32, #tpu.memory_space<vmem>>, %arg1: memref<1x1xf32, #tpu.memory_space<smem>>) attributes {dimension_semantics = [], scalar_prefetch = 0 : i64, scratch_operands = 0 : i64, tpu.core_type = #tpu.core_type<tc>} {
    %get3A = arith.constant 0 : index
    %get3A_0 = arith.constant 0 : index
    %get3A_1 = vector.load %arg0[%get3A, %get3A_0] : memref<32x128xf32, #tpu.memory_space<vmem>>, vector<32x128xf32>
    %reduce_sum3A = arith.constant dense<0.000000e+00> : vector<128xf32>
    %reduce_sum3A_2 = vector.multi_reduction <add>, %get3A_1, %reduce_sum3A [0] : vector<32x128xf32> to vector<128xf32>
    %broadcast_in_dim3A = vector.shape_cast %reduce_sum3A_2 : vector<128xf32> to vector<1x128xf32>
    %iota3A = tpu.iota {dimensions = array<i32: 1>} : vector<1x128xi32>
    %jit3A = arith.constant 16 : i32
    %div3A = vector.broadcast %jit3A : i32 to vector<1x128xi32>
    %div3A_3 = arith.divsi %iota3A, %div3A : vector<1x128xi32>
    %sign3A = arith.constant 0 : i32
    %sign3A_4 = vector.broadcast %sign3A : i32 to vector<1x128xi32>
    %sign3A_5 = arith.cmpi sgt, %iota3A, %sign3A_4 : vector<1x128xi32>
    %sign3A_6 = arith.extui %sign3A_5 : vector<1x128xi1> to vector<1x128xi32>
    %sign3A_7 = arith.constant 0 : i32
    %sign3A_8 = vector.broadcast %sign3A_7 : i32 to vector<1x128xi32>
    %sign3A_9 = arith.cmpi slt, %iota3A, %sign3A_8 : vector<1x128xi32>
    %sign3A_10 = arith.extui %sign3A_9 : vector<1x128xi1> to vector<1x128xi32>
    %sign3A_11 = arith.subi %sign3A_6, %sign3A_10 : vector<1x128xi32>
    %sign3A_12 = arith.constant 0 : i32
    %sign3A_13 = arith.cmpi sgt, %jit3A, %sign3A_12 : i32
    %sign3A_14 = arith.extui %sign3A_13 : i1 to i32
    %sign3A_15 = arith.constant 0 : i32
    %sign3A_16 = arith.cmpi slt, %jit3A, %sign3A_15 : i32
    %sign3A_17 = arith.extui %sign3A_16 : i1 to i32
    %sign3A_18 = arith.subi %sign3A_14, %sign3A_17 : i32
    %ne3A = vector.broadcast %sign3A_18 : i32 to vector<1x128xi32>
    %ne3A_19 = arith.cmpi ne, %sign3A_11, %ne3A : vector<1x128xi32>
    %rem3A = vector.broadcast %jit3A : i32 to vector<1x128xi32>
    %rem3A_20 = arith.remsi %iota3A, %rem3A : vector<1x128xi32>
    %ne3A_21 = arith.constant 0 : i32
    %ne3A_22 = vector.broadcast %ne3A_21 : i32 to vector<1x128xi32>
    %ne3A_23 = arith.cmpi ne, %rem3A_20, %ne3A_22 : vector<1x128xi32>
    %and3A = arith.andi %ne3A_19, %ne3A_23 : vector<1x128xi1>
    %sub3A = arith.constant 1 : i32
    %sub3A_24 = vector.broadcast %sub3A : i32 to vector<1x128xi32>
    %sub3A_25 = arith.subi %div3A_3, %sub3A_24 : vector<1x128xi32>
    %select_n3A = arith.select %and3A, %sub3A_25, %div3A_3 : vector<1x128xi1>, vector<1x128xi32>
    %eq3A = arith.constant 0 : i32
    %eq3A_26 = vector.broadcast %eq3A : i32 to vector<1x128xi32>
    %eq3A_27 = arith.cmpi eq, %select_n3A, %eq3A_26 : vector<1x128xi32>
    %jit3A_28 = arith.constant 0.000000e+00 : f32
    %broadcast_in_dim3A_29 = vector.broadcast %jit3A_28 : f32 to vector<1x128xf32>
    %select_n3A_30 = arith.select %eq3A_27, %broadcast_in_dim3A, %broadcast_in_dim3A_29 : vector<1x128xi1>, vector<1x128xf32>
    %reduce_sum3A_31 = vector.shape_cast %select_n3A_30 : vector<1x128xf32> to vector<1x1x128xf32>
    %reduce_sum3A_32 = arith.constant dense<0.000000e+00> : vector<1xf32>
    %reduce_sum3A_33 = vector.multi_reduction <add>, %reduce_sum3A_31, %reduce_sum3A_32 [1, 2] : vector<1x1x128xf32> to vector<1xf32>
    %reduce_sum3A_34 = vector.shape_cast %reduce_sum3A_33 : vector<1xf32> to vector<1x1x1xf32>
    %reduce_sum3A_35 = vector.extract %reduce_sum3A_34[0, 0, 0] : f32 from vector<1x1x1xf32>
    %div3A_36 = arith.constant 3.276800e+04 : f32
    %div3A_37 = arith.divf %reduce_sum3A_35, %div3A_36 : f32
    %mul3A = arith.mulf %div3A_37, %div3A_37 : f32
    %add3A = arith.constant 0.000000e+00 : f32
    %add3A_38 = arith.addf %add3A, %mul3A : f32
    %eq3A_39 = arith.constant 1 : i32
    %eq3A_40 = vector.broadcast %eq3A_39 : i32 to vector<1x128xi32>
    %eq3A_41 = arith.cmpi eq, %select_n3A, %eq3A_40 : vector<1x128xi32>
    %jit3A_42 = arith.constant 0.000000e+00 : f32
    %broadcast_in_dim3A_43 = vector.broadcast %jit3A_42 : f32 to vector<1x128xf32>
    %select_n3A_44 = arith.select %eq3A_41, %broadcast_in_dim3A, %broadcast_in_dim3A_43 : vector<1x128xi1>, vector<1x128xf32>
    %reduce_sum3A_45 = vector.shape_cast %select_n3A_44 : vector<1x128xf32> to vector<1x1x128xf32>
    %reduce_sum3A_46 = arith.constant dense<0.000000e+00> : vector<1xf32>
    %reduce_sum3A_47 = vector.multi_reduction <add>, %reduce_sum3A_45, %reduce_sum3A_46 [1, 2] : vector<1x1x128xf32> to vector<1xf32>
    %reduce_sum3A_48 = vector.shape_cast %reduce_sum3A_47 : vector<1xf32> to vector<1x1x1xf32>
    %reduce_sum3A_49 = vector.extract %reduce_sum3A_48[0, 0, 0] : f32 from vector<1x1x1xf32>
    %div3A_50 = arith.constant 3.276800e+04 : f32
    %div3A_51 = arith.divf %reduce_sum3A_49, %div3A_50 : f32
    %mul3A_52 = arith.mulf %div3A_51, %div3A_51 : f32
    %add3A_53 = arith.addf %add3A_38, %mul3A_52 : f32
    %eq3A_54 = arith.constant 2 : i32
    %eq3A_55 = vector.broadcast %eq3A_54 : i32 to vector<1x128xi32>
    %eq3A_56 = arith.cmpi eq, %select_n3A, %eq3A_55 : vector<1x128xi32>
    %jit3A_57 = arith.constant 0.000000e+00 : f32
    %broadcast_in_dim3A_58 = vector.broadcast %jit3A_57 : f32 to vector<1x128xf32>
    %select_n3A_59 = arith.select %eq3A_56, %broadcast_in_dim3A, %broadcast_in_dim3A_58 : vector<1x128xi1>, vector<1x128xf32>
    %reduce_sum3A_60 = vector.shape_cast %select_n3A_59 : vector<1x128xf32> to vector<1x1x128xf32>
    %reduce_sum3A_61 = arith.constant dense<0.000000e+00> : vector<1xf32>
    %reduce_sum3A_62 = vector.multi_reduction <add>, %reduce_sum3A_60, %reduce_sum3A_61 [1, 2] : vector<1x1x128xf32> to vector<1xf32>
    %reduce_sum3A_63 = vector.shape_cast %reduce_sum3A_62 : vector<1xf32> to vector<1x1x1xf32>
    %reduce_sum3A_64 = vector.extract %reduce_sum3A_63[0, 0, 0] : f32 from vector<1x1x1xf32>
    %div3A_65 = arith.constant 3.276800e+04 : f32
    %div3A_66 = arith.divf %reduce_sum3A_64, %div3A_65 : f32
    %mul3A_67 = arith.mulf %div3A_66, %div3A_66 : f32
    %add3A_68 = arith.addf %add3A_53, %mul3A_67 : f32
    %eq3A_69 = arith.constant 3 : i32
    %eq3A_70 = vector.broadcast %eq3A_69 : i32 to vector<1x128xi32>
    %eq3A_71 = arith.cmpi eq, %select_n3A, %eq3A_70 : vector<1x128xi32>
    %jit3A_72 = arith.constant 0.000000e+00 : f32
    %broadcast_in_dim3A_73 = vector.broadcast %jit3A_72 : f32 to vector<1x128xf32>
    %select_n3A_74 = arith.select %eq3A_71, %broadcast_in_dim3A, %broadcast_in_dim3A_73 : vector<1x128xi1>, vector<1x128xf32>
    %reduce_sum3A_75 = vector.shape_cast %select_n3A_74 : vector<1x128xf32> to vector<1x1x128xf32>
    %reduce_sum3A_76 = arith.constant dense<0.000000e+00> : vector<1xf32>
    %reduce_sum3A_77 = vector.multi_reduction <add>, %reduce_sum3A_75, %reduce_sum3A_76 [1, 2] : vector<1x1x128xf32> to vector<1xf32>
    %reduce_sum3A_78 = vector.shape_cast %reduce_sum3A_77 : vector<1xf32> to vector<1x1x1xf32>
    %reduce_sum3A_79 = vector.extract %reduce_sum3A_78[0, 0, 0] : f32 from vector<1x1x1xf32>
    %div3A_80 = arith.constant 3.276800e+04 : f32
    %div3A_81 = arith.divf %reduce_sum3A_79, %div3A_80 : f32
    %mul3A_82 = arith.mulf %div3A_81, %div3A_81 : f32
    %add3A_83 = arith.addf %add3A_68, %mul3A_82 : f32
    %eq3A_84 = arith.constant 4 : i32
    %eq3A_85 = vector.broadcast %eq3A_84 : i32 to vector<1x128xi32>
    %eq3A_86 = arith.cmpi eq, %select_n3A, %eq3A_85 : vector<1x128xi32>
    %jit3A_87 = arith.constant 0.000000e+00 : f32
    %broadcast_in_dim3A_88 = vector.broadcast %jit3A_87 : f32 to vector<1x128xf32>
    %select_n3A_89 = arith.select %eq3A_86, %broadcast_in_dim3A, %broadcast_in_dim3A_88 : vector<1x128xi1>, vector<1x128xf32>
    %reduce_sum3A_90 = vector.shape_cast %select_n3A_89 : vector<1x128xf32> to vector<1x1x128xf32>
    %reduce_sum3A_91 = arith.constant dense<0.000000e+00> : vector<1xf32>
    %reduce_sum3A_92 = vector.multi_reduction <add>, %reduce_sum3A_90, %reduce_sum3A_91 [1, 2] : vector<1x1x128xf32> to vector<1xf32>
    %reduce_sum3A_93 = vector.shape_cast %reduce_sum3A_92 : vector<1xf32> to vector<1x1x1xf32>
    %reduce_sum3A_94 = vector.extract %reduce_sum3A_93[0, 0, 0] : f32 from vector<1x1x1xf32>
    %div3A_95 = arith.constant 3.276800e+04 : f32
    %div3A_96 = arith.divf %reduce_sum3A_94, %div3A_95 : f32
    %mul3A_97 = arith.mulf %div3A_96, %div3A_96 : f32
    %add3A_98 = arith.addf %add3A_83, %mul3A_97 : f32
    %eq3A_99 = arith.constant 5 : i32
    %eq3A_100 = vector.broadcast %eq3A_99 : i32 to vector<1x128xi32>
    %eq3A_101 = arith.cmpi eq, %select_n3A, %eq3A_100 : vector<1x128xi32>
    %jit3A_102 = arith.constant 0.000000e+00 : f32
    %broadcast_in_dim3A_103 = vector.broadcast %jit3A_102 : f32 to vector<1x128xf32>
    %select_n3A_104 = arith.select %eq3A_101, %broadcast_in_dim3A, %broadcast_in_dim3A_103 : vector<1x128xi1>, vector<1x128xf32>
    %reduce_sum3A_105 = vector.shape_cast %select_n3A_104 : vector<1x128xf32> to vector<1x1x128xf32>
    %reduce_sum3A_106 = arith.constant dense<0.000000e+00> : vector<1xf32>
    %reduce_sum3A_107 = vector.multi_reduction <add>, %reduce_sum3A_105, %reduce_sum3A_106 [1, 2] : vector<1x1x128xf32> to vector<1xf32>
    %reduce_sum3A_108 = vector.shape_cast %reduce_sum3A_107 : vector<1xf32> to vector<1x1x1xf32>
    %reduce_sum3A_109 = vector.extract %reduce_sum3A_108[0, 0, 0] : f32 from vector<1x1x1xf32>
    %div3A_110 = arith.constant 3.276800e+04 : f32
    %div3A_111 = arith.divf %reduce_sum3A_109, %div3A_110 : f32
    %mul3A_112 = arith.mulf %div3A_111, %div3A_111 : f32
    %add3A_113 = arith.addf %add3A_98, %mul3A_112 : f32
    %eq3A_114 = arith.constant 6 : i32
    %eq3A_115 = vector.broadcast %eq3A_114 : i32 to vector<1x128xi32>
    %eq3A_116 = arith.cmpi eq, %select_n3A, %eq3A_115 : vector<1x128xi32>
    %jit3A_117 = arith.constant 0.000000e+00 : f32
    %broadcast_in_dim3A_118 = vector.broadcast %jit3A_117 : f32 to vector<1x128xf32>
    %select_n3A_119 = arith.select %eq3A_116, %broadcast_in_dim3A, %broadcast_in_dim3A_118 : vector<1x128xi1>, vector<1x128xf32>
    %reduce_sum3A_120 = vector.shape_cast %select_n3A_119 : vector<1x128xf32> to vector<1x1x128xf32>
    %reduce_sum3A_121 = arith.constant dense<0.000000e+00> : vector<1xf32>
    %reduce_sum3A_122 = vector.multi_reduction <add>, %reduce_sum3A_120, %reduce_sum3A_121 [1, 2] : vector<1x1x128xf32> to vector<1xf32>
    %reduce_sum3A_123 = vector.shape_cast %reduce_sum3A_122 : vector<1xf32> to vector<1x1x1xf32>
    %reduce_sum3A_124 = vector.extract %reduce_sum3A_123[0, 0, 0] : f32 from vector<1x1x1xf32>
    %div3A_125 = arith.constant 3.276800e+04 : f32
    %div3A_126 = arith.divf %reduce_sum3A_124, %div3A_125 : f32
    %mul3A_127 = arith.mulf %div3A_126, %div3A_126 : f32
    %add3A_128 = arith.addf %add3A_113, %mul3A_127 : f32
    %eq3A_129 = arith.constant 7 : i32
    %eq3A_130 = vector.broadcast %eq3A_129 : i32 to vector<1x128xi32>
    %eq3A_131 = arith.cmpi eq, %select_n3A, %eq3A_130 : vector<1x128xi32>
    %jit3A_132 = arith.constant 0.000000e+00 : f32
    %broadcast_in_dim3A_133 = vector.broadcast %jit3A_132 : f32 to vector<1x128xf32>
    %select_n3A_134 = arith.select %eq3A_131, %broadcast_in_dim3A, %broadcast_in_dim3A_133 : vector<1x128xi1>, vector<1x128xf32>
    %reduce_sum3A_135 = vector.shape_cast %select_n3A_134 : vector<1x128xf32> to vector<1x1x128xf32>
    %reduce_sum3A_136 = arith.constant dense<0.000000e+00> : vector<1xf32>
    %reduce_sum3A_137 = vector.multi_reduction <add>, %reduce_sum3A_135, %reduce_sum3A_136 [1, 2] : vector<1x1x128xf32> to vector<1xf32>
    %reduce_sum3A_138 = vector.shape_cast %reduce_sum3A_137 : vector<1xf32> to vector<1x1x1xf32>
    %reduce_sum3A_139 = vector.extract %reduce_sum3A_138[0, 0, 0] : f32 from vector<1x1x1xf32>
    %div3A_140 = arith.constant 3.276800e+04 : f32
    %div3A_141 = arith.divf %reduce_sum3A_139, %div3A_140 : f32
    %mul3A_142 = arith.mulf %div3A_141, %div3A_141 : f32
    %add3A_143 = arith.addf %add3A_128, %mul3A_142 : f32
    %mul3A_144 = arith.constant 8.000000e+00 : f32
    %mul3A_145 = arith.mulf %mul3A_144, %add3A_143 : f32
    %swap3A = arith.constant 0 : index
    %swap3A_146 = arith.constant 0 : index
    %swap3A_147 = memref.load %arg1[%swap3A, %swap3A_146] : memref<1x1xf32, #tpu.memory_space<smem>>
    memref.store %mul3A_145, %arg1[%swap3A, %swap3A_146] : memref<1x1xf32, #tpu.memory_space<smem>>
    return
  }
}

</mosaic_0001>

<sc_bundles>
// kernel: kernel.5.cloned.1.call-start
scs
__scs_entry_jumppad:
0x0: {  	(pc) =	sbr.rel $0x88, $3  }
0x1: {  	(tag) =	ssettag $0x0;
	lr =	simm.s32 $0x1  }
0x2: {  	[smem:$0x3F9F] =	sst lr;
	_ =	strace $0xD0000000  }
0x3: {  	_ = 	snop  }
0x4: {  	_ = 	snop  }
0x5: {  	_ = 	snop  }
0x6: {  	_ = 	snop  }
0x7: {  	_ = 	snop  }
__scs_overlays_trampoline_lowered:
0x8: {  	[smem:$0x3FAE] =	sst s0  }
0x9: {  	[smem:$0x3FAF] =	sst s1  }
0xa: {  	[smem:$0x3FB0] =	sst s2  }
0xb: {  	[smem:$0x3FB1] =	sst s3  }
0xc: {  	[smem:$0x3FB2] =	sst s4  }
0xd: {  	[smem:$0x3FB3] =	sst s5  }
0xe: {  	[smem:$0x3FB4] =	sst s6  }
0xf: {  	[smem:$0x3FB5] =	sst s7  }
0x10: {  	[smem:$0x3FB6] =	sst s8  }
0x11: {  	[smem:$0x3FB7] =	sst s9;
	s0 =	simm.s32 @!p0 $0x0  }
0x12: {  	s1 =	sld [smem:$0x3F9D];
	s0 =	simm.s32 @p0 $0x1  }
0x13: {  	[smem:$0x3FB8] =	sst s0;
	s0 =	simm.s32 @!p1 $0x0  }
0x14: {  	s2 =	sld [smem:$0x3F9C];
	s0 =	simm.s32 @p1 $0x1  }
0x15: {  	[smem:$0x3FB9] =	sst s0;
	s0 =	simm.s32 @!p2 $0x0  }
0x16: {  	s3 =	sld [smem:$0x3FDB];
	s0 =	simm.s32 @p2 $0x1  }
0x17: {  	s4 =	simm.s32 $0x1BF5;
	[smem:$0x3FBB] =	sst s0  }
0x18: {  	s0 =	sld [smem:$0x3F9E];
	_ =	swait.ge [sflag:s4], $0x0  }
0x19: {  	s7 =	sld [smem:$0x3F9F]  }
0x1a: {  	s8 =	sadd.s32 $0xFFFFE003, lr  }
0x1b: {  	s9 =	sadd.s32 $0xFFFFFEF7, lr;
	s5 =	simm.s32 $0xFFFFFFFF;
	p2 =	slt.u32 s8, $0xFFFFF086  }
0x1c: {  	p1 =	slt.u32 s9, $0xF7A;
	s5 =	simm.s32 @!p2 $0x0  }
0x1d: {  	s5 =	simm.s32 @p1 $0x1;
	p0 =	seq.s32 s7, s2  }
0x1e: {  	s7 =	smul.u32 @!p0 $0xF7A, s2;
	p2 =	seq.s32 @!p0 s5, $0x0  }
0x1f: {  	s9 =	smul.u32 $0xF7A, s1;
	s8 =	simm.s32 @!p0 $0x1BF5;
	p2 =	por !p2, p0  }
0x20: {  	[sflag:s8] =	ssyncset.s32 @!p0 $0xFFFFF086;
	s6 =	sadd.s32 @!p0 s3, s7;
	s7 =	simm.s32 @!p0 $0x108  }
0x21: {  	s3 =	sadd.s32 s3, s9;
	s6 =	sadd.s32 @!p0 $0x88, s6;
	s7 =	simm.s32 @p2 $0x1082  }
0x22: {  	[simem:s7], [sflag:s8] =	dma.local @!p0 [hbm:s6], $0xF7A  }
0x23: {  	s9 =	sor.u32 $0xD0000000, s2;
	s6 =	simm.s32 $0x108;
	_ =	swait.ge @!p0 [sflag:s8], $0x0  }
0x24: {  	s3 =	sadd.s32 $0x88, s3;
	s6 =	simm.s32 @!p1 $0x1082;
	[sflag:s4] =	ssyncset.s32 $0xFFFFF086  }
0x25: {  	[simem:s6], [sflag:s4] =	dma.local [hbm:s3], $0xF7A  }
0x26: {  	[smem:$0x3F9F] =	sst s1;
	(tag) =	ssettag s2;
	_ =	strace s9  }
0x27: {  	s1 =	sld [smem:$0x3FAF]  }
0x28: {  	s2 =	sld [smem:$0x3FB0]  }
0x29: {  	s4 =	sld [smem:$0x3FB2]  }
0x2a: {  	p0 =	seq.s32 s5, $0x0;
	s5 =	sld [smem:$0x3FB3]  }
0x2b: {  	s6 =	sld [smem:$0x3FB4]  }
0x2c: {  	s7 =	sld [smem:$0x3FB5]  }
0x2d: {  	s3 =	simm.s32 $0x108;
	s8 =	sld [smem:$0x3FB6]  }
0x2e: {  	s3 =	simm.s32 @!p0 $0x1082;
	s9 =	sld [smem:$0x3FB7]  }
0x2f: {  	lr =	sadd.s32 s0, s3;
	s0 =	sld [smem:$0x3FAE]  }
0x30: {  	s3 =	sld [smem:$0x3FB1]  }
0x31: {  	[smem:$0x3FBA] =	sst s10  }
0x32: {  	s10 =	sld [smem:$0x3FB8];
	_ =	sdelay $0x3  }
0x33: {  	p0 =	seq.s32 s10, $0x1;
	s10 =	sld [smem:$0x3FBA];
	_ =	sdelay $0x3  }
0x34: {  	[smem:$0x3FBA] =	sst s10  }
0x35: {  	s10 =	sld [smem:$0x3FB9];
	_ =	sdelay $0x3  }
0x36: {  	p1 =	seq.s32 s10, $0x1;
	s10 =	sld [smem:$0x3FBA];
	_ =	sdelay $0x3  }
0x37: {  	[smem:$0x3FBA] =	sst s10  }
0x38: {  	s10 =	sld [smem:$0x3FBB]  }
0x39: {  	_ = 	snop;
	(pc) =	sbr.ind lr, $3  }
0x3a: {  	_ = 	snop  }
0x3b: {  	_ = 	snop  }
0x3c: {  	p2 =	seq.s32 s10, $0x1;
	s10 =	sld [smem:$0x3FBA]  }
0x3d: {  	_ =	shalt  }
0x3e: {  	_ =	shalt  }
0x3f: {  	_ =	shalt  }
0x40: {  	_ =	shalt  }
0x41: {  	_ =	shalt  }
0x42: {  	_ =	shalt  }
0x43: {  	_ =	shalt  }
0x44: {  	_ =	shalt  }
0x45: {  	_ =	shalt  }
0x46: {  	_ =	shalt  }
0x47: {  	_ =	shalt  }
0x48: {  	_ =	shalt  }
0x49: {  	_ =	shalt  }
0x4a: {  	_ =	shalt  }
0x4b: {  	_ =	shalt  }
0x4c: {  	_ =	shalt  }
0x4d: {  	_ =	shalt  }
0x4e: {  	_ =	shalt  }
0x4f: {  	_ =	shalt  }
0x50: {  	_ =	shalt  }
0x51: {  	_ =	shalt  }
0x52: {  	_ =	shalt  }
0x53: {  	_ =	shalt  }
0x54: {  	_ =	shalt  }
0x55: {  	_ =	shalt  }
0x56: {  	_ =	shalt  }
0x57: {  	_ =	shalt  }
0x58: {  	_ =	shalt  }
0x59: {  	_ =	shalt  }
0x5a: {  	_ =	shalt  }
0x5b: {  	_ =	shalt  }
0x5c: {  	_ =	shalt  }
0x5d: {  	_ =	shalt  }
0x5e: {  	_ =	shalt  }
0x5f: {  	_ =	shalt  }
0x60: {  	_ =	shalt  }
0x61: {  	_ =	shalt  }
0x62: {  	_ =	shalt  }
0x63: {  	_ =	shalt  }
0x64: {  	_ =	shalt  }
0x65: {  	_ =	shalt  }
0x66: {  	_ =	shalt  }
0x67: {  	_ =	shalt  }
0x68: {  	_ =	shalt  }
0x69: {  	_ =	shalt  }
0x6a: {  	_ =	shalt  }
0x6b: {  	_ =	shalt  }
0x6c: {  	_ =	shalt  }
0x6d: {  	_ =	shalt  }
0x6e: {  	_ =	shalt  }
0x6f: {  	_ =	shalt  }
0x70: {  	_ =	shalt  }
0x71: {  	_ =	shalt  }
0x72: {  	_ =	shalt  }
0x73: {  	_ =	shalt  }
0x74: {  	_ =	shalt  }
0x75: {  	_ =	shalt  }
0x76: {  	_ =	shalt  }
0x77: {  	_ =	shalt  }
0x78: {  	_ =	shalt  }
0x79: {  	_ =	shalt  }
0x7a: {  	_ =	shalt  }
0x7b: {  	_ =	shalt  }
0x7c: {  	_ =	shalt  }
0x7d: {  	_ =	shalt  }
0x7e: {  	_ =	shalt  }
0x7f: {  	_ =	shalt  }
0x80: {  	_ =	shalt  }
0x81: {  	_ =	shalt  }
0x82: {  	_ =	shalt  }
0x83: {  	_ =	shalt  }
0x84: {  	_ =	shalt  }
0x85: {  	_ =	shalt  }
0x86: {  	_ =	shalt  }
0x87: {  	_ =	shalt  }
.Lfunc_end0:
.L_simem_size_0:
called_computation_lowered:
.L_overlay_start_0:
0x88: {  	s2 =	sld [smem:$0x3FD9]  }
0x89: {  	s3 =	sld [smem:$0x3FFE];
	_ =	sdelay $0x1  }
0x8a: {  	s1 =	srdreg.scid  }
0x8b: {  	s0 =	sand.u32 $0x1, s1  }
0x8c: {  	s14 =	sshll.u32 s0, $0xA;
	s2 =	sadd.s32 s3, s2  }
0x8d: {  	s2 =	sadd.s32 s2, s14  }
0x8e: {  	[smem:$0x3FC6] =	sst s2  }
0x8f: {  	_ = 	snop  }
0x90: {  	s2 =	sld [smem:$0x3FD0];
	_ =	sdelay $0x2  }
0x91: {  	s15 =	simm.s32 $0xA;
	s4 =	simm.s32 $0x10  }
0x92: {  	[smem:s4], [sflag:s15] =	dma.local [hbm:s2], $0x1  }
0x93: {  	_ =	swait.eq [sflag:s15], $0x1  }
0x94: {  	[sflag:s15] =	ssyncset.done $0x0  }
0x95: {  	[sflag:s15] =	ssyncadd.s32 $0xFFFFFFFF  }
0x96: {  	s16 =	sld [smem:$0x11];
	(tm) =	ssettm $0x1  }
0x97: {  	s17 =	sld [smem:$0x3FFB];
	_ =	sdelay $0x3  }
0x98: {  	_ =	strace s17  }
0x99: {  	s3 =	sld [smem:$0x3FFC];
	_ =	sdelay $0x3  }
0x9a: {  	_ =	strace s3  }
0x9b: {  	s3 =	sld [smem:$0x3FFD];
	_ =	sdelay $0x3  }
0x9c: {  	_ =	strace s3  }
0x9d: {  	_ =	strace $0x8FFFFFFF  }
0x9e: {  	s18 =	sld [smem:$0x3FDB];
	_ =	sdelay $0x1  }
0x9f: {  	s19 =	simm.s32 $_scs_section_size  }
0xa0: {  	s5 =	simm.s32 $_size__tile_overlayer_lowered;
	s6 =	simm.s32 $_tile_overlayer_lowered  }
0xa1: {  	s22 =	simm.s32 $0x1BFF;
	s21 =	sshll.u32 s6, $0x1;
	s3 =	sadd.s32 s19, s18  }
0xa2: {  	s7 =	simm.s32 $0x0;
	s20 =	sshll.u32 s5, $0x1;
	s5 =	sadd.s32 s21, s3  }
0xa3: {  	[timem:s7], [sflag:s22] =	dma.local [hbm:s5], s20  }
0xa4: {  	_ =	swait.ge [sflag:s22], s20  }
0xa5: {  	s4 =	ssub.s32 $0x0, s20;
	[sflag:s22] =	ssyncset.done $0x0  }
0xa6: {  	[sflag:s22] =	ssyncadd.s32 s4;
	_ =	sdelay $0x1  }
0xa7: {  	s23 =	simm.s32 $0x1B8B  }
0xa8: {  	_ =	swait.ge [sflag:s23], $0x1  }
0xa9: {  	[sflag:s23] =	ssyncset.done $0x0  }
0xaa: {  	s25 =	simm.s32 $0x1B8E;
	s24 =	sld [smem:$0x3FFE];
	[sflag:s23] =	ssyncadd.s32 $0xFFFFFFFF  }
0xab: {  	s26 =	simm.s32 $execute0_lowered;
	[smem:$0x3FD2] =	sst s25  }
0xac: {  	s5 =	sshll.u32 s26, $0x1;
	_ =	strace $0x80000046;
	[dreg:$0x1] =	wrdreg $0xFFFFFFFF  }
0xad: {  	s28 =	simm.s32 $_size_execute0_lowered;
	s3 =	sadd.s32 s3, s5;
	[dreg:$0x0] =	wrdreg $0x0  }
0xae: {  	s5 =	sshll.u32 s28, $0x1;
	[dreg:$0x2] =	wrdreg s3  }
0xaf: {  	[dreg:$0x3] =	wrdreg s5  }
0xb0: {  	[dreg:$0x4] =	wrdreg $0xC0  }
0xb1: {  	_ =	task [dreg:s7], $0x5FFFF  }
0xb2: {  	[dreg:$0x1] =	wrdreg $0xFFFFFFFF  }
0xb3: {  	[dreg:$0x0] =	wrdreg $0x60  }
0xb4: {  	[dreg:$0x2] =	wrdreg s24  }
0xb5: {  	[dreg:$0x3] =	wrdreg s16  }
0xb6: {  	[dreg:$0x4] =	wrdreg $0x9  }
0xb7: {  	_ =	task.clear_ibuf [dreg:s7], $0x5FFFF;
	_ =	strace $0x90000046  }
0xb8: {  	s29 =	simm.s32 $0x9;
	_ =	strace $0x80000048  }
0xb9: {  	_ =	swait.ge [sflag:s29], $0x1  }
0xba: {  	[sflag:s29] =	ssyncadd.s32 $0xFFFFFFFF  }
0xbb: {  	_ =	strace $0x90000048  }
0xbc: {  	_ =	sfence  }
0xbd: {  	s30 =	sld [smem:$0x0];
	_ =	sdelay $0x2  }
0xbe: {  	s31 =	sshll.u32 s1, $0xD;
	s1 =	sshrl.u32 s1, $0x2  }
0xbf: {  	s3 =	sand.u32 $0x4000, s31;
	s1 =	sadd.s32 s1, s30  }
0xc0: {  	s0 =	sor.u32 s3, s0;
	s1 =	sshll.u32 s1, $0x11  }
0xc1: {  	s0 =	sor.u32 s1, s0  }
0xc2: {  	s0 =	sadd.s32 $0x8F2B, s0  }
0xc3: {  	[sflag:s0] =	ssyncadd.remote.s32 $0x1  }
0xc4: {  	_ =	sfence.sel $0xFFFF  }
0xc5: {  	[dreg:$0x0] =	wrdreg $0xFFFFFFFF;
	(pc) =	sbr.abs _section_cstart, $3  }
0xc6: {  	[dreg:$0x1] =	wrdreg $0xFFFFFFFF  }
0xc7: {  	_ =	task.clear_ibuf [dreg:s7], $0x2FFFF;
	_ =	strace $0x9FFFFFFF  }
0xc8: {  	(tm) =	ssettm $0x7FFFFFFF  }
0xc9: {  	_ =	shalt  }
tec
execute0_lowered:
.L_overlay_start_1:
0x0: {  	(tag) =	ssettag $0x1  }
0x1: {  	s3 =	rddreg [dreg:$0x0]  }
0x2: {  	s4 =	rddreg [dreg:$0x1]  }
0x3: {  	s0 =	rddreg [dreg:$0x2]  }
0x4: {  	s5 =	srdreg.scid;
	s1 =	stileid.u32;
	s2 =	simm.s32 $0x0  }
0x5: {  	s11 =	simm.s32 $0x2800;
	s12 =	simm.s32 $0x2;
	s13 =	simm.s32 $0x3  }
0x6: {  	s14 =	simm.s32 $0x4;
	s5 =	sand.u32 $0x1, s5;
	s6 =	sshll.u32 s1, $0x1  }
0x7: {  	s15 =	simm.s32 $0x0;
	[smem:$0x7FF] =	sst s2;
	s6 =	sor.u32 s5, s6  }
0x8: {  	_ =	strace $0x80000047;
	s5 =	ssub.s32 $0x2, s5;
	s7 =	sshll.u32 s6, $0xA  }
0x9: {  	s8 =	sshll.u32 s6, $0x7;
	s6 =	sshll.u32 s6, $0x4;
	s10 =	sshrl.u32 s5, $0x1  }
0xa: {  	s7 =	sadd.s32 s7, s3;
	s9 =	sadd.s32 s8, s3;
	s6 =	sadd.s32 s6, s3  }
0xb: {  	s10 =	ssub.s32 s5, s10;
	s4 =	sadd.s32 s4, s8;
	s8 =	simm.s32 $0x1  }
0xc: {  	s3 =	sadd.s32 $0xE00, s7;
	s5 =	sadd.s32 $0x9000, s9;
	s6 =	sadd.s32 $0x8E00, s6  }
0xd: {  	v0 =	vimm.s32 $0x0;
	s7 =	smax.u32 s10, $0x1;
	s9 =	simm.s32 $0x2000;
	s10 =	simm.s32 $0x2400  }
.LBB2_1:
0xe: {  	[tilespmem:s2], [sflag:$0x1] =	stream.linear.gather [hbm4b:s3+s2], $0x2000, $0x38;
	[tilespmem:$0x2880] =	vst v63  }
0xf: {  	_ =	swait.ge [sflag:s8], $0x2000  }
0x10: {  	s16 =	sand.u32 $0x70, s2;
	s17 =	sand.u32 $0x1C00, s2;
	[sflag:s8] =	ssyncset.done $0x0  }
0x11: {  	s16 =	sor.u32 s16, s17;
	[sflag:s8] =	ssyncadd.s32 $0xFFFFE000  }
0x12: {  	v1 =	vld [tilespmem:s16+$0x80]  }
0x13: {  	v2 =	vld [tilespmem:s16+$0x0];
	_ =	sdelay $0x2  }
0x14: {  	v3 =	vld [tilespmem:s16+$0x100]  }
0x15: {  	vm1 =	vlt.f32 v1, $-Inf;
	vm2 =	vgt.f32 v1, $-Inf  }
0x16: {  	vm0 =	vgt.f32 v1, v2;
	vm9 =	vmor vm2, vm1  }
0x17: {  	v4 =	vld [tilespmem:s16+$0x180];
	vm12 =	vmneg vm0;
	v5 =	vnsel vm9, $0xFF800000, v1  }
0x18: {  	v5 =	vsel vm12, v5, v2  }
0x19: {  	v6 =	vsel vm12, v2, v1;
	vm10 =	vgt.f32 v3, v5  }
0x1a: {  	v7 =	vld [tilespmem:s16+$0x200];
	vm1 =	vgt.f32 v3, v6;
	v5 =	vsel vm10, v3, v5  }
0x1b: {  	v5 =	vsel vm1, v6, v5  }
0x1c: {  	v6 =	vsel vm1, v3, v6;
	vm7 =	vgt.f32 v4, v5  }
0x1d: {  	v8 =	vld [tilespmem:s16+$0x280];
	vm2 =	vgt.f32 v4, v6;
	v5 =	vsel vm7, v4, v5  }
0x1e: {  	v5 =	vsel vm2, v6, v5  }
0x1f: {  	v6 =	vsel vm2, v4, v6;
	vm8 =	vgt.f32 v7, v5  }
0x20: {  	v9 =	vld [tilespmem:s16+$0x300];
	vm4 =	vgt.f32 v7, v6;
	v5 =	vsel vm8, v7, v5  }
0x21: {  	v5 =	vsel vm4, v6, v5  }
0x22: {  	v11 =	vld [tilespmem:s16+$0x380];
	v6 =	vsel vm4, v7, v6;
	vm11 =	vgt.f32 v8, v5  }
0x23: {  	vm5 =	vgt.f32 v8, v6;
	v5 =	vsel vm11, v8, v5  }
0x24: {  	v10 =	vsel vm5, v8, v6;
	v5 =	vsel vm5, v6, v5  }
0x25: {  	vm6 =	vgt.f32 v9, v10;
	vm13 =	vgt.f32 v9, v5  }
0x26: {  	v6 =	vsel vm6, v9, v10;
	v5 =	vsel vm13, v9, v5  }
0x27: {  	vm3 =	vgt.f32 v11, v6;
	v5 =	vsel vm6, v10, v5  }
0x28: {  	v12 =	vsel vm3, v11, v6;
	vm14 =	vgt.f32 v11, v5  }
0x29: {  	v2 =	vsub.f32 v2, v12;
	v5 =	vsel vm14, v11, v5  }
0x2a: {  	v3 =	vsub.f32 v3, v12;
	v5 =	vsel vm3, v6, v5  }
0x2b: {  	v2 =	vmul.f32 $1.442695020e+00, v2;
	v5 =	vsub.f32 v5, v12  }
0x2c: {  	v4 =	vsub.f32 v4, v12;
	v3 =	vmul.f32 $1.442695020e+00, v3  }
0x2d: {  	(erf) = vpow2.f32 v2;
	v2 =	vsub.f32 v8, v12;
	v5 =	vmul.f32 $1.442695020e+00, v5  }
0x2e: {  	v1 =	vsub.f32 v1, v12;
	(erf) = vpow2.f32 v3;
	v3 =	vmul.f32 $1.442695020e+00, v4  }
0x2f: {  	v2 =	vmul.f32 $1.442695020e+00, v2;
	(erf) = vpow2.f32 v5  }
0x30: {  	v1 =	vmul.f32 $1.442695020e+00, v1;
	(erf) = vpow2.f32 v3  }
0x31: {  	(erf) = vpow2.f32 v2  }
0x32: {  	(erf) = vpow2.f32 v1;
	v1 =	vsub.f32 v9, v12  }
0x33: {  	v2 =	vsub.f32 v7, v12  }
0x34: {  	v1 =	vmul.f32 $1.442695020e+00, v1  }
0x35: {  	v2 =	vmul.f32 $1.442695020e+00, v2  }
0x36: {  	v10 =	vpop (erf);
	(erf) = vpow2.f32 v1  }
0x37: {  	vm9 =	vmand vm12, vm9;
	v13 =	vpop (erf);
	(erf) = vpow2.f32 v2;
	v2 =	vsub.f32 v11, v12  }
0x38: {  	v3 =	vsel vm9, $0x1, v0  }
0x39: {  	v4 =	vsel vm0, $0x1, v0;
	v3 =	vsel vm10, $0x2, v3;
	v1 =	vpop (erf);
	v2 =	vmul.f32 $1.442695020e+00, v2  }
0x3a: {  	v3 =	vsel vm1, v4, v3;
	v11 =	vpop (erf);
	v1 =	vadd.f32 $1.000000000e+00, v1  }
0x3b: {  	v4 =	vsel vm1, $0x2, v4;
	v3 =	vsel vm7, $0x3, v3;
	v14 =	vpop (erf);
	(erf) = vpow2.f32 v2  }
0x3c: {  	v16 =	vpop (erf);
	v2 =	vsel vm2, v4, v3;
	(erf) = vrcp.f32 v1  }
0x3d: {  	v3 =	vsel vm2, $0x3, v4;
	v5 =	vadd.f32 v16, v10;
	v2 =	vsel vm8, $0x4, v2  }
0x3e: {  	v2 =	vsel vm4, v3, v2  }
0x3f: {  	v3 =	vsel vm4, $0x4, v3;
	v1 =	vadd.f32 v5, v13;
	v2 =	vsel vm11, $0x5, v2  }
0x40: {  	v2 =	vsel vm5, v3, v2  }
0x41: {  	v9 =	vpop (erf);
	v3 =	vsel vm5, $0x5, v3;
	v1 =	vadd.f32 v1, v11;
	v2 =	vsel vm13, $0x6, v2  }
0x42: {  	v15 =	vpop (erf);
	v2 =	vsel vm6, v3, v2  }
0x43: {  	v3 =	vsel vm6, $0x6, v3;
	v1 =	vadd.f32 v1, v15;
	v2 =	vsel vm14, $0x7, v2  }
0x44: {  	v2 =	vsel vm3, v3, v2;
	v12 =	vpop (erf)  }
0x45: {  	s30 =	simm.s32 $0x10;
	s18 =	simm.s32 $0x80;
	v3 =	vsel vm3, $0x7, v3;
	v1 =	vadd.f32 v1, v14;
	v2 =	vshll.u32 v2, $0x10;
	v4 =	vpop (erf)  }
0x46: {  	s31 =	sand.u32 $0x1C00, s18;
	s16 =	sand.u32 $0x70, s30;
	v2 =	vor.u32 v3, v2;
	[tilespmem:s9+$0x0] =	vst v4  }
0x47: {  	s21 =	sor.u32 s16, s31;
	v1 =	vadd.f32 v1, v9;
	[tilespmem:s10+$0x0] =	vst v2  }
0x48: {  	v6 =	vimm.f32 $0.0e+00;
	v17 =	vld [tilespmem:s21+$0x80]  }
0x49: {  	v8 =	vimm.f32 $0.0e+00;
	v7 =	vimm.f32 $0.0e+00;
	v1 =	vadd.f32 v1, v12;
	v18 =	vld [tilespmem:s21+$0x0]  }
0x4a: {  	v5 =	vimm.f32 $0.0e+00;
	v3 =	vimm.f32 $0.0e+00;
	v4 =	vimm.f32 $0.0e+00  }
0x4b: {  	s22 =	simm.s32 $0x20;
	s17 =	simm.s32 $0x2000;
	s16 =	simm.s32 $0x2400;
	v2 =	vimm.f32 $0.0e+00;
	v19 =	vld [tilespmem:s21+$0x100];
	(erf) = vrcp.f32 v1;
	v1 =	vimm.f32 $0.0e+00  }
.LBB2_2:
0x4c: {  	s17 =	sadd.s32 $0x10, s17  }
0x4d: {  	vm0 =	vlt.f32 v17, $-Inf;
	vm1 =	vgt.f32 v17, $-Inf;
	s16 =	sadd.s32 $0x10, s16;
	s20 =	smov.u32 s22;
	s19 =	sadd.s32 $0x10, s22  }
0x4e: {  	p0 =	sne.s32 s22, $0x3F0;
	v20 =	vld [tilespmem:s21+$0x180];
	vm2 =	vgt.f32 v17, v18;
	vm0 =	vmor vm1, vm0  }
0x4f: {  	vm1 =	vmneg vm2;
	v21 =	vnsel vm0, $0xFF800000, v17;
	v22 =	vsel vm2, $0x1, v0  }
0x50: {  	v23 =	vld [tilespmem:s21+$0x200];
	v21 =	vsel vm1, v21, v18;
	v24 =	vsel vm1, v18, v17  }
0x51: {  	vm0 =	vmand vm1, vm0;
	vm1 =	vgt.f32 v19, v24;
	vm2 =	vgt.f32 v19, v21  }
0x52: {  	v25 =	vld [tilespmem:s21+$0x280];
	v21 =	vsel vm2, v19, v21;
	v26 =	vsel vm1, v19, v24;
	v27 =	vsel vm1, $0x2, v22  }
0x53: {  	v31 =	vsel vm0, $0x1, v0;
	v21 =	vsel vm1, v24, v21;
	vm0 =	vgt.f32 v20, v26  }
0x54: {  	v30 =	vsel vm2, $0x2, v31;
	v24 =	vld [tilespmem:s21+$0x300];
	vm3 =	vgt.f32 v20, v21;
	v29 =	vsel vm0, v20, v26  }
0x55: {  	v22 =	vsel vm1, v22, v30;
	v21 =	vsel vm3, v20, v21;
	vm1 =	vgt.f32 v23, v29;
	v28 =	vpop (erf)  }
0x56: {  	v30 =	vld [tilespmem:s21+$0x380];
	v21 =	vsel vm0, v26, v21;
	v26 =	vsel vm1, v23, v29;
	v10 =	vmul.f32 v28, v10  }
0x57: {  	v16 =	vmul.f32 v28, v16;
	vm5 =	vgt.f32 v23, v21;
	vm2 =	vgt.f32 v25, v26  }
0x58: {  	v13 =	vmul.f32 v28, v13;
	v21 =	vsel vm5, v23, v21;
	v31 =	vsel vm2, v25, v26  }
0x59: {  	v22 =	vsel vm3, $0x3, v22;
	v21 =	vsel vm1, v29, v21;
	vm3 =	vgt.f32 v24, v31  }
0x5a: {  	v8 =	vadd.f32 v16, v8;
	vm6 =	vgt.f32 v25, v21;
	v29 =	vsel vm3, v24, v31  }
0x5b: {  	v14 =	vmul.f32 v28, v14;
	v16 =	vsel vm6, v25, v21;
	vm4 =	vgt.f32 v30, v29  }
0x5c: {  	v5 =	vadd.f32 v13, v5;
	v16 =	vsel vm2, v26, v16;
	v21 =	vsel vm4, v30, v29  }
0x5d: {  	v11 =	vmul.f32 v28, v11;
	vm7 =	vgt.f32 v24, v16;
	v13 =	vsub.f32 v18, v21  }
0x5e: {  	v18 =	vsub.f32 v19, v21;
	v19 =	vsub.f32 v24, v21;
	v16 =	vsel vm7, v24, v16  }
0x5f: {  	v15 =	vmul.f32 v28, v15;
	v16 =	vsel vm3, v31, v16;
	v13 =	vmul.f32 $1.442695020e+00, v13  }
0x60: {  	v6 =	vadd.f32 v11, v6;
	v18 =	vmul.f32 $1.442695020e+00, v18;
	vm8 =	vgt.f32 v30, v16  }
0x61: {  	v4 =	vadd.f32 v15, v4;
	v11 =	vsel vm8, v30, v16;
	(erf) = vpow2.f32 v13  }
0x62: {  	v12 =	vmul.f32 v28, v12;
	v13 =	vsub.f32 v25, v21;
	v11 =	vsel vm4, v29, v11  }
0x63: {  	v9 =	vmul.f32 v28, v9;
	v15 =	vsub.f32 v30, v21;
	v11 =	vsub.f32 v11, v21  }
0x64: {  	v2 =	vadd.f32 v14, v2;
	v13 =	vmul.f32 $1.442695020e+00, v13;
	(erf) = vpow2.f32 v18  }
0x65: {  	v3 =	vadd.f32 v9, v3;
	v14 =	vsub.f32 v20, v21;
	v11 =	vmul.f32 $1.442695020e+00, v11  }
0x66: {  	v9 =	vsub.f32 v17, v21;
	v15 =	vmul.f32 $1.442695020e+00, v15;
	v16 =	vsub.f32 v23, v21  }
0x67: {  	v1 =	vadd.f32 v12, v1;
	v14 =	vmul.f32 $1.442695020e+00, v14;
	(erf) = vpow2.f32 v11  }
0x68: {  	v7 =	vadd.f32 v10, v7;
	v9 =	vmul.f32 $1.442695020e+00, v9;
	v11 =	vmul.f32 $1.442695020e+00, v16  }
0x69: {  	v12 =	vsel vm0, $0x3, v27;
	v17 =	vsel vm0, v27, v22;
	(erf) = vpow2.f32 v14  }
0x6a: {  	v16 =	vmul.f32 $1.442695020e+00, v19;
	v14 =	vsel vm5, $0x4, v17;
	v10 =	vpop (erf);
	(erf) = vpow2.f32 v13  }
0x6b: {  	v17 =	vsel vm1, v12, v14;
	v12 =	vsel vm1, $0x4, v12;
	(erf) = vpow2.f32 v9  }
0x6c: {  	v9 =	vsel vm6, $0x5, v17;
	v14 =	vsel vm2, $0x5, v12;
	(erf) = vpow2.f32 v16  }
0x6d: {  	v9 =	vsel vm2, v12, v9;
	v12 =	vsel vm3, $0x6, v14;
	v13 =	vpop (erf);
	(erf) = vpow2.f32 v11  }
0x6e: {  	v9 =	vsel vm7, $0x6, v9;
	v17 =	vsel vm4, $0x7, v12;
	(erf) = vpow2.f32 v15  }
0x6f: {  	v9 =	vsel vm3, v14, v9  }
0x70: {  	v9 =	vsel vm8, $0x7, v9;
	v11 =	vpop (erf)  }
0x71: {  	v9 =	vsel vm4, v12, v9;
	v12 =	vadd.f32 $1.000000000e+00, v11  }
0x72: {  	v18 =	vshll.u32 v9, $0x10;
	v11 =	vpop (erf)  }
0x73: {  	(erf) = vrcp.f32 v12;
	v14 =	vpop (erf)  }
0x74: {  	v16 =	vpop (erf)  }
0x75: {  	v20 =	vadd.f32 v16, v10;
	v9 =	vpop (erf)  }
0x76: {  	v15 =	vpop (erf)  }
0x77: {  	v19 =	vadd.f32 v20, v13;
	v12 =	vpop (erf);
	_ =	sdelay $0x1  }
0x78: {  	v19 =	vadd.f32 v19, v11;
	_ =	sdelay $0x1  }
0x79: {  	v19 =	vadd.f32 v19, v15  }
0x7a: {  	s18 =	sadd.s32 $0x80, s18;
	v20 =	vpop (erf)  }
0x7b: {  	s20 =	sand.u32 $0x70, s20;
	s21 =	sand.u32 $0x1C00, s18;
	v17 =	vor.u32 v17, v18;
	v19 =	vadd.f32 v19, v14;
	[tilespmem:s17+$0x0] =	vst v20  }
0x7c: {  	s21 =	sor.u32 s20, s21;
	[tilespmem:s16+$0x0] =	vst v17  }
.Ltmp0:
0x7d: {  	v17 =	vld [tilespmem:s21+$0x80];
	v19 =	vadd.f32 v19, v9;
	(pc) =	sbr.rel @p0 .LBB2_2-.Ltmp0, $3  }
0x7e: {  	v18 =	vld [tilespmem:s21+$0x0]  }
0x7f: {  	v20 =	vadd.f32 v19, v12;
	_ =	sdelay $0x1  }
0x80: {  	s22 =	smov.u32 s19;
	v19 =	vld [tilespmem:s21+$0x100];
	(erf) = vrcp.f32 v20  }
0x81: {  	vm1 =	vlt.f32 v17, $-Inf;
	vm2 =	vgt.f32 v17, $-Inf  }
0x82: {  	vm0 =	vgt.f32 v17, v18;
	vm4 =	vmor vm2, vm1  }
0x83: {  	v20 =	vld [tilespmem:s21+$0x180];
	vm10 =	vmneg vm0;
	v21 =	vnsel vm4, $0xFF800000, v17  }
0x84: {  	v21 =	vsel vm10, v21, v18  }
0x85: {  	v22 =	vsel vm10, v18, v17;
	vm5 =	vgt.f32 v19, v21  }
0x86: {  	v23 =	vld [tilespmem:s21+$0x200];
	vm3 =	vgt.f32 v19, v22;
	v21 =	vsel vm5, v19, v21  }
0x87: {  	v21 =	vsel vm3, v22, v21  }
0x88: {  	v22 =	vsel vm3, v19, v22;
	vm9 =	vgt.f32 v20, v21  }
0x89: {  	v24 =	vld [tilespmem:s21+$0x280];
	vm6 =	vgt.f32 v20, v22;
	v21 =	vsel vm9, v20, v21  }
0x8a: {  	v21 =	vsel vm6, v22, v21  }
0x8b: {  	v22 =	vsel vm6, v20, v22;
	vm11 =	vgt.f32 v23, v21  }
0x8c: {  	v25 =	vld [tilespmem:s21+$0x300];
	vm7 =	vgt.f32 v23, v22;
	v21 =	vsel vm11, v23, v21  }
0x8d: {  	v21 =	vsel vm7, v22, v21  }
0x8e: {  	v26 =	vld [tilespmem:s21+$0x380];
	v22 =	vsel vm7, v23, v22;
	vm13 =	vgt.f32 v24, v21  }
0x8f: {  	vm8 =	vgt.f32 v24, v22;
	v21 =	vsel vm13, v24, v21  }
0x90: {  	v27 =	vsel vm8, v24, v22;
	v21 =	vsel vm8, v22, v21  }
0x91: {  	vm2 =	vgt.f32 v25, v27;
	vm14 =	vgt.f32 v25, v21  }
0x92: {  	v61 =	vsel vm2, v25, v27;
	v21 =	vsel vm14, v25, v21  }
0x93: {  	vm1 =	vgt.f32 v26, v61;
	v21 =	vsel vm2, v27, v21  }
0x94: {  	v62 =	vsel vm1, v26, v61;
	vm12 =	vgt.f32 v26, v21  }
0x95: {  	v63 =	vsub.f32 v18, v62;
	v21 =	vsel vm12, v26, v21  }
0x96: {  	v28 =	vsub.f32 v19, v62;
	v21 =	vsel vm1, v61, v21  }
0x97: {  	v18 =	vmul.f32 $1.442695020e+00, v63;
	v21 =	vsub.f32 v21, v62  }
0x98: {  	v20 =	vsub.f32 v20, v62;
	v19 =	vmul.f32 $1.442695020e+00, v28  }
0x99: {  	v29 =	vsub.f32 v24, v62;
	(erf) = vpow2.f32 v18;
	v21 =	vmul.f32 $1.442695020e+00, v21  }
0x9a: {  	v30 =	vsub.f32 v17, v62;
	v31 =	vmul.f32 $1.442695020e+00, v20;
	(erf) = vpow2.f32 v19  }
0x9b: {  	v18 =	vmul.f32 $1.442695020e+00, v29;
	(erf) = vpow2.f32 v21  }
0x9c: {  	v17 =	vmul.f32 $1.442695020e+00, v30;
	(erf) = vpow2.f32 v31  }
0x9d: {  	(erf) = vpow2.f32 v18  }
0x9e: {  	(erf) = vpow2.f32 v17  }
0x9f: {  	v32 =	vsub.f32 v25, v62  }
0xa0: {  	v33 =	vsub.f32 v23, v62  }
0xa1: {  	v34 =	vpop (erf);
	v17 =	vmul.f32 $1.442695020e+00, v32  }
0xa2: {  	v18 =	vmul.f32 $1.442695020e+00, v33;
	v35 =	vpop (erf)  }
0xa3: {  	(erf) = vpow2.f32 v17;
	v36 =	vpop (erf)  }
0xa4: {  	(erf) = vpow2.f32 v18;
	v37 =	vpop (erf)  }
0xa5: {  	v38 =	vpop (erf)  }
0xa6: {  	v39 =	vsub.f32 v26, v62;
	v40 =	vpop (erf)  }
0xa7: {  	v41 =	vpop (erf)  }
0xa8: {  	v22 =	vmul.f32 $1.442695020e+00, v39;
	v42 =	vadd.f32 v41, v35;
	_ =	sdelay $0x1  }
0xa9: {  	(erf) = vpow2.f32 v22;
	v43 =	vadd.f32 v42, v36;
	_ =	sdelay $0x1  }
0xaa: {  	v44 =	vpop (erf);
	v22 =	vadd.f32 v43, v38  }
0xab: {  	v45 =	vpop (erf)  }
0xac: {  	v22 =	vadd.f32 v22, v45;
	_ =	sdelay $0x1  }
0xad: {  	v22 =	vadd.f32 v22, v40;
	_ =	sdelay $0x1  }
0xae: {  	v22 =	vadd.f32 v22, v44  }
0xaf: {  	vm4 =	vmand vm10, vm4;
	v18 =	vadd.f32 $1.000000000e+00, v37;
	v46 =	vpop (erf)  }
0xb0: {  	v28 =	vsel vm4, $0x1, v0;
	v22 =	vadd.f32 v22, v46  }
0xb1: {  	v28 =	vsel vm5, $0x2, v28;
	v29 =	vsel vm0, $0x1, v0;
	(erf) = vrcp.f32 v18  }
0xb2: {  	v47 =	vsel vm3, v29, v28;
	(erf) = vrcp.f32 v22  }
0xb3: {  	v48 =	vsel vm3, $0x2, v29;
	v18 =	vsel vm9, $0x3, v47  }
0xb4: {  	v18 =	vsel vm6, v48, v18  }
0xb5: {  	v16 =	vmul.f32 v34, v16;
	v18 =	vsel vm11, $0x4, v18;
	v22 =	vsel vm6, $0x3, v48  }
0xb6: {  	v10 =	vmul.f32 v34, v10;
	v13 =	vmul.f32 v34, v13;
	v18 =	vsel vm7, v22, v18  }
0xb7: {  	v14 =	vmul.f32 v34, v14;
	v49 =	vsel vm7, $0x4, v22;
	v18 =	vsel vm13, $0x5, v18  }
0xb8: {  	v11 =	vmul.f32 v34, v11;
	v15 =	vmul.f32 v34, v15;
	v18 =	vsel vm8, v49, v18  }
0xb9: {  	v8 =	vadd.f32 v16, v8;
	v16 =	vsel vm8, $0x5, v49;
	v18 =	vsel vm14, $0x6, v18  }
0xba: {  	v5 =	vadd.f32 v13, v5;
	v6 =	vadd.f32 v11, v6;
	v51 =	vpop (erf);
	v50 =	vsel vm2, v16, v18  }
0xbb: {  	v4 =	vadd.f32 v15, v4;
	v52 =	vsel vm2, $0x6, v16;
	v11 =	vsel vm12, $0x7, v50;
	v53 =	vpop (erf)  }
0xbc: {  	v7 =	vadd.f32 v10, v7;
	v54 =	vsel vm1, v52, v11;
	v55 =	vmul.f32 v53, v35  }
0xbd: {  	s17 =	sadd.s32 $0x10, s17;
	v15 =	vsel vm1, $0x7, v52;
	v10 =	vshll.u32 v54, $0x10;
	v56 =	vmul.f32 v53, v41  }
0xbe: {  	s16 =	sadd.s32 $0x10, s16;
	[tilespmem:s17+$0x0] =	vst v51;
	v10 =	vor.u32 v15, v10;
	v57 =	vmul.f32 v53, v36;
	v7 =	vadd.f32 v55, v7  }
0xbf: {  	v58 =	vmul.f32 v34, v12;
	[tilespmem:s16+$0x0] =	vst v10;
	v59 =	vmul.f32 v53, v38;
	v8 =	vadd.f32 v56, v8  }
0xc0: {  	v9 =	vmul.f32 v34, v9;
	v60 =	vmul.f32 v53, v45;
	v5 =	vadd.f32 v57, v5;
	[tilespmem:$0x2800] =	vst v7  }
0xc1: {  	v2 =	vadd.f32 v14, v2;
	v61 =	vmul.f32 v53, v40;
	v6 =	vadd.f32 v59, v6;
	[tilespmem:$0x2810] =	vst v8  }
0xc2: {  	v3 =	vadd.f32 v9, v3;
	v62 =	vmul.f32 v53, v44;
	v4 =	vadd.f32 v60, v4;
	[tilespmem:$0x2820] =	vst v5  }
0xc3: {  	v1 =	vadd.f32 v58, v1;
	v63 =	vmul.f32 v53, v46;
	v2 =	vadd.f32 v61, v2;
	[tilespmem:$0x2830] =	vst v6  }
0xc4: {  	v3 =	vadd.f32 v62, v3;
	[tilespmem:$0x2840] =	vst v4  }
0xc5: {  	v1 =	vadd.f32 v63, v1;
	[tilespmem:$0x2850] =	vst v2  }
0xc6: {  	[tilespmem:$0x2860] =	vst v3  }
0xc7: {  	[tilespmem:$0x2870] =	vst v1  }
0xc8: {  	[hbm4b:s4+s2] =	stream.linear.scatter [tilespmem:s9], [sflag:$0x2], $0x400, $0x38;
	[tilespmem:$0x2880] =	vst v63  }
0xc9: {  	_ = 	snop  }
0xca: {  	[hbm4b:s5+s2] =	stream.linear.scatter [tilespmem:s10], [sflag:$0x3], $0x400, $0x38;
	[tilespmem:$0x2880] =	vst v63  }
0xcb: {  	_ = 	snop  }
0xcc: {  	[hbm4b:s6+s2] =	stream.linear.scatter [tilespmem:s11], [sflag:$0x4], $0x80, $0x38;
	[tilespmem:$0x2880] =	vst v63  }
0xcd: {  	_ =	swait.ge [sflag:s12], $0x400  }
0xce: {  	[sflag:s12] =	ssyncset.done $0x0  }
0xcf: {  	s15 =	sadd.s32 $0x1, s15;
	[sflag:s12] =	ssyncadd.s32 $0xFFFFFC00  }
0xd0: {  	p0 =	sne.s32 s15, s7;
	_ =	swait.ge [sflag:s13], $0x400  }
.Ltmp1:
0xd1: {  	[sflag:s13] =	ssyncset.done $0x0;
	(pc) =	sbr.rel @p0 .LBB2_1-.Ltmp1, $4  }
0xd2: {  	[sflag:s13] =	ssyncadd.s32 $0xFFFFFC00  }
0xd3: {  	_ =	swait.ge [sflag:s14], $0x80  }
0xd4: {  	[sflag:s14] =	ssyncset.done $0x0  }
0xd5: {  	[sflag:s14] =	ssyncadd.s32 $0xFFFFFF80  }
0xd6: {  	_ =	sfence.sel $0x180000  }
0xd7: {  	[bflag:$0x0] =	sbarrier.arrive $0xFFFF  }
0xd8: {  	p0 =	sne.s32 s1, $0x0;
	_ =	strace $0x90000047  }
0xd9: {  	s0 =	sadd.s32 @!p0 $0x100000, s0;
	[bflag:$0x2] =	sbarrier.arrive $0xFFFF  }
0xda: {  	[sflag:s0] =	ssyncadd.tile.s32 @!p0 $0x1;
	_ =	shalt  }
.Lfunc_end2:
_tile_overlayer_lowered:
.L_overlay_start_2:
0xdb: {  	(tag) =	ssettag $0x2  }
0xdc: {  	s0 =	rddreg [dreg:$0x0];
	s2 =	stileid.u32  }
0xdd: {  	s1 =	rddreg [dreg:$0x1];
	p0 =	sne.s32 s2, $0x0  }
0xde: {  	s3 =	rddreg [dreg:$0x2];
	[bflag:$0x3] =	sbarrier.arrive $0xFFFF;
	s2 =	simm.s32 @!p0 $0x1C05  }
0xdf: {  	[timem:s3], [sflag:s2] =	dma.local @!p0 [hbm:s0], s1  }
0xe0: {  	s0 =	simm.s32 @!p0 $0x5  }
0xe1: {  	_ =	swait.ge @!p0 [sflag:s0], s1  }
0xe2: {  	s1 =	ssub.s32 @!p0 $0x0, s1;
	[sflag:s0] =	ssyncset.done @!p0 $0x0  }
0xe3: {  	[sflag:s0] =	ssyncadd.s32 @!p0 s1  }
0xe4: {  	[bflag:$0x3] =	sbarrier.arrive $0xFFFF  }
0xe5: {  	_ =	shalt  }

</sc_bundles>
